<compile_context>
chip_gen: v7x
topology: tpu7x:2x2x1
jax: 0.10.2.dev20260603
libtpu: 0.0.44.dev20260713+nightly
codegen_flags: <defaults>
</compile_context>

<pallas_src>
import jax
import jax.numpy as jnp
from jax import lax
from jax.experimental import pallas as pl
from jax.experimental.pallas import tpu as pltpu
from jax.experimental.pallas import tpu_sc as plsc

N = 8192
K = 32
CUTOFF2 = 25.0
BIG = 1e18
BIGHALF = 5e17
NC = 2
NS = 16
NW = NC * NS
ROWS_PER = N // NW
L = 16
NSEG = 64
CH = 512
WL = N + CH + 32


def _rev(v):
  return lax.rev(v, (0,))


def _sload(ref, idx):
  return ref[pl.ds(idx, L)][0]


def _merge_low(ak, av, bk, bv):
  rbk, rbv = _rev(bk), _rev(bv)
  take_a = ak <= rbk
  lk = jnp.where(take_a, ak, rbk)
  lv = jnp.where(take_a, av, rbv)
  return plsc.sort_key_val(lk, lv)


def _merge_both(ak, av, bk, bv):
  rbk, rbv = _rev(bk), _rev(bv)
  take_a = ak <= rbk
  lk = jnp.where(take_a, ak, rbk)
  lv = jnp.where(take_a, av, rbv)
  hk = jnp.where(take_a, rbk, ak)
  hv = jnp.where(take_a, rbv, av)
  lk, lv = plsc.sort_key_val(lk, lv)
  hk, hv = plsc.sort_key_val(hk, hv)
  return lk, lv, hk, hv


def _bf16_rne(x):
  i = plsc.bitcast(x, jnp.int32)
  r = (i + 0x7FFF + (lax.shift_right_logical(i, 16) & 1)) & jnp.int32(-65536)
  return plsc.bitcast(r, jnp.float32)


def _sqrt(a):
  i = plsc.bitcast(a, jnp.int32)
  y = plsc.bitcast(jnp.int32(0x1FBD1DF5) + lax.shift_right_logical(i, 1),
                   jnp.float32)
  for _ in range(3):
    y = 0.5 * (y + a / y)
  return jnp.where(a > 0.0, y, 0.0)


def _body(x_hbm, y_hbm, z_hbm, b_hbm, s_hbm,
          src_hbm, tgt_hbm, w_hbm, vx_hbm, vy_hbm, vz_hbm,
          xv, yv, zv, xbv, ybv, zbv, x2v, bvw, sv,
          srcb, tgtb, wb, vxb, vyb, vzb, csem):
  wid = lax.axis_index("s") * NC + lax.axis_index("c")
  row0 = wid * ROWS_PER

  with jax.named_scope("stage"):
    pltpu.sync_copy(b_hbm.at[pl.ds(row0, ROWS_PER)], bvw.at[pl.ds(0, ROWS_PER)])
    pltpu.sync_copy(s_hbm, sv)

  bid_first = _sload(bvw, 0)
  bid_last = _sload(bvw, ROWS_PER - 1)
  base = sv[pl.ds(bid_first, L)][0]
  end = sv[pl.ds(bid_last, L)][1]
  base_al = pl.multiple_of(base & -8, 8)
  span = end - base_al

  def copy_body(j, _):
    o = j * CH
    h = pltpu.async_copy(x_hbm.at[pl.ds(base_al + o, CH)],
                         xv.at[pl.ds(o, CH)], csem)
    h2 = pltpu.async_copy(y_hbm.at[pl.ds(base_al + o, CH)],
                          yv.at[pl.ds(o, CH)], csem)
    h3 = pltpu.async_copy(z_hbm.at[pl.ds(base_al + o, CH)],
                          zv.at[pl.ds(o, CH)], csem)
    h.wait()
    h2.wait()
    h3.wait()
    return _

  with jax.named_scope("copyin"):
    lax.fori_loop(0, (span + L + CH - 1) // CH, copy_body, None)

  def pre_body(j, _):
    o = j * L
    cx = xv[pl.ds(o, L)]
    cy = yv[pl.ds(o, L)]
    cz = zv[pl.ds(o, L)]
    xbv[pl.ds(o, L)] = _bf16_rne(cx)
    ybv[pl.ds(o, L)] = _bf16_rne(cy)
    zbv[pl.ds(o, L)] = _bf16_rne(cz)
    x2v[pl.ds(o, L)] = cx * cx + cy * cy + cz * cz
    return _

  with jax.named_scope("pre"):
    lax.fori_loop(0, span // L + 1, pre_body, None)

  lanes = lax.iota(jnp.int32, L)

  def row_body(rp, _):
    i0 = row0 + rp * 2
    i1 = i0 + 1
    l0 = i0 - base_al
    l1 = i1 - base_al
    bid0 = _sload(bvw, rp * 2)
    bid1 = _sload(bvw, rp * 2 + 1)
    se0 = sv[pl.ds(bid0, L)]
    se1 = sv[pl.ds(bid1, L)]
    s0, e0 = se0[0], se0[1]
    s1, e1 = se1[0], se1[1]
    q = [(i0, l0, _sload(xbv, l0), _sload(ybv, l0), _sload(zbv, l0),
          _sload(x2v, l0), s0, e0),
         (i1, l1, _sload(xbv, l1), _sload(ybv, l1), _sload(zbv, l1),
          _sload(x2v, l1), s1, e1)]
    nchunks = (e1 - s0 + 2 * L - 1) // (2 * L)

    def chunk_body(c, carry):
      off = s0 + c * (2 * L)
      lo = off - base_al
      idxa = off + lanes
      idxb = idxa + L
      cxa = xbv[pl.ds(lo, L)]
      cya = ybv[pl.ds(lo, L)]
      cza = zbv[pl.ds(lo, L)]
      c2a = x2v[pl.ds(lo, L)]
      cxb = xbv[pl.ds(lo + L, L)]
      cyb = ybv[pl.ds(lo + L, L)]
      czb = zbv[pl.ds(lo + L, L)]
      c2b = x2v[pl.ds(lo + L, L)]
      out = []
      for r, (i, il, qxb, qyb, qzb, qx2, s, e) in enumerate(q):
        t0k, t0v, t1k, t1v = carry[4 * r:4 * r + 4]
        dota = cxa * qxb + cya * qyb + cza * qzb
        d2a = jnp.maximum(qx2 + c2a - 2.0 * dota, 0.0)
        oka = (idxa >= s) & (idxa < e) & (d2a <= CUTOFF2)
        dotb = cxb * qxb + cyb * qyb + czb * qzb
        d2b = jnp.maximum(qx2 + c2b - 2.0 * dotb, 0.0)
        okb = (idxb >= s) & (idxb < e) & (d2b <= CUTOFF2)
        ak, av = plsc.sort_key_val(jnp.where(oka, d2a, BIG), idxa)
        bk, bv_ = plsc.sort_key_val(jnp.where(okb, d2b, BIG), idxb)
        n0k, n0v, n1k, n1v = _merge_both(ak, av, bk, bv_)
        rk, rv = _rev(n1k), _rev(n1v)
        m0 = t0k <= rk
        l0k = jnp.where(m0, t0k, rk)
        l0v = jnp.where(m0, t0v, rv)
        rk, rv = _rev(n0k), _rev(n0v)
        m1 = t1k <= rk
        l1k = jnp.where(m1, t1k, rk)
        l1v = jnp.where(m1, t1v, rv)
        mp = l0k <= l1k
        pk = jnp.where(mp, l0k, l1k)
        pv = jnp.where(mp, l0v, l1v)
        qk = jnp.where(mp, l1k, l0k)
        qv = jnp.where(mp, l1v, l0v)
        t0k, t0v = plsc.sort_key_val(pk, pv)
        t1k, t1v = plsc.sort_key_val(qk, qv)
        out += [t0k, t0v, t1k, t1v]
      return tuple(out)

    def full16(val, dtype):
      return jnp.full((L,), val, dtype=dtype)

    init = (full16(BIG, jnp.float32), full16(i0, jnp.int32),
            full16(BIG, jnp.float32), full16(i0, jnp.int32),
            full16(BIG, jnp.float32), full16(i1, jnp.int32),
            full16(BIG, jnp.float32), full16(i1, jnp.int32))
    res = lax.fori_loop(0, nchunks, chunk_body, init)

    for r, (i, il, qxb, qyb, qzb, qx2, s, e) in enumerate(q):
      qx, qy, qz = _sload(xv, il), _sload(yv, il), _sload(zv, il)
      ro = (rp * 2 + r) * K
      for half in range(2):
        tk, tv = res[4 * r + 2 * half], res[4 * r + 2 * half + 1]
        src = jnp.where(tk < BIGHALF, tv, i)
        srcl = src - base_al
        dx = plsc.load_gather(xv, [srcl]) - qx
        dy = plsc.load_gather(yv, [srcl]) - qy
        dz = plsc.load_gather(zv, [srcl]) - qz
        o = ro + half * L
        srcb[pl.ds(o, L)] = src
        tgtb[pl.ds(o, L)] = jnp.full((L,), i, dtype=jnp.int32)
        wb[pl.ds(o, L)] = _sqrt(dx * dx + dy * dy + dz * dz)
        vxb[pl.ds(o, L)] = dx
        vyb[pl.ds(o, L)] = dy
        vzb[pl.ds(o, L)] = dz
    return _

  with jax.named_scope("rows"):
    lax.fori_loop(0, ROWS_PER // 2, row_body, None)

  eb = row0 * K
  ne = ROWS_PER * K
  with jax.named_scope("out"):
    handles = [
      pltpu.async_copy(srcb, src_hbm.at[pl.ds(eb, ne)], csem),
      pltpu.async_copy(tgtb, tgt_hbm.at[pl.ds(eb, ne)], csem),
      pltpu.async_copy(wb, w_hbm.at[pl.ds(eb, ne)], csem),
      pltpu.async_copy(vxb, vx_hbm.at[pl.ds(eb, ne)], csem),
      pltpu.async_copy(vyb, vy_hbm.at[pl.ds(eb, ne)], csem),
      pltpu.async_copy(vzb, vz_hbm.at[pl.ds(eb, ne)], csem),
    ]
    for h in handles:
      h.wait()


@jax.jit
def kernel(pos, batch):
  batch32 = batch.astype(jnp.int32)
  hpad = jnp.zeros((CH + 16,), dtype=jnp.float32)
  x = jnp.concatenate([pos[:, 0], hpad])
  y = jnp.concatenate([pos[:, 1], hpad])
  z = jnp.concatenate([pos[:, 2], hpad])
  segs = jnp.sum(
      batch32[None, :] < jnp.arange(NSEG + 24, dtype=jnp.int32)[:, None],
      axis=1, dtype=jnp.int32)

  E = N * K
  f32 = jnp.float32
  outs = pl.kernel(
      _body,
      out_type=[
          jax.ShapeDtypeStruct((E,), jnp.int32),
          jax.ShapeDtypeStruct((E,), jnp.int32),
          jax.ShapeDtypeStruct((E,), f32),
          jax.ShapeDtypeStruct((E,), f32),
          jax.ShapeDtypeStruct((E,), f32),
          jax.ShapeDtypeStruct((E,), f32),
      ],
      mesh=plsc.VectorSubcoreMesh(core_axis_name="c", subcore_axis_name="s",
                                  num_cores=NC, num_subcores=NS),
      compiler_params=pltpu.CompilerParams(needs_layout_passes=False),
      scratch_types=[
          pltpu.VMEM((WL,), f32),
          pltpu.VMEM((WL,), f32),
          pltpu.VMEM((WL,), f32),
          pltpu.VMEM((WL,), f32),
          pltpu.VMEM((WL,), f32),
          pltpu.VMEM((WL,), f32),
          pltpu.VMEM((WL,), f32),
          pltpu.VMEM((ROWS_PER + L,), jnp.int32),
          pltpu.VMEM((NSEG + 24,), jnp.int32),
          pltpu.VMEM((ROWS_PER * K,), jnp.int32),
          pltpu.VMEM((ROWS_PER * K,), jnp.int32),
          pltpu.VMEM((ROWS_PER * K,), f32),
          pltpu.VMEM((ROWS_PER * K,), f32),
          pltpu.VMEM((ROWS_PER * K,), f32),
          pltpu.VMEM((ROWS_PER * K,), f32),
          pltpu.SemaphoreType.DMA,
      ],
  )(x, y, z, batch32, segs)

  src, tgt, w, vx, vy, vz = outs
  edge_index = jnp.stack([src, tgt], axis=0)
  edge_vec = jnp.stack([vx, vy, vz], axis=1)
  return edge_index, w, edge_vec

# --- scband reference (transcript-rebuilt; emitter-appended) ---
"""Pipeline reference for scband-distance-81088982549020 (READ-ONLY COPY).

The authoritative reference and input builder live on the scoring server;
editing this copy changes nothing except your own understanding.
"""

import jax, jax.numpy as jnp
import numpy as np

N = 8192
NUM_MOL = 64
CUTOFF = 5.0
MAX_NUM_NEIGHBORS = 32
LOOP = True


def setup_inputs(seed: int = 0) -> dict:
    key = jax.random.key(seed)
    k1, k2 = jax.random.split(key)
    pos = jax.random.normal(k1, (N, 3), dtype=jnp.float32)
    batch = jnp.sort(jax.random.randint(k2, (N,), 0, NUM_MOL)).astype(jnp.int64)
    return {"pos": pos, "batch": batch}


def radius_graph_fixed(pos, batch, cutoff, k, loop):
    # Brute-force radius graph with fixed max_num_neighbors, padded with self-loops.
    n = pos.shape[0]
    x2 = jnp.sum(pos * pos, axis=-1)
    d2 = x2[:, None] + x2[None, :] - 2.0 * (pos @ pos.T)
    d2 = jnp.maximum(d2, 0.0)
    same = batch[:, None] == batch[None, :]
    mask = same & (d2 <= cutoff * cutoff)
    if not loop:
        mask = mask & (~jnp.eye(n, dtype=bool))
    BIG = jnp.float32(1e18)
    d2m = jnp.where(mask, d2, BIG)
    neg_vals, idx = jax.lax.top_k(-d2m, k)  # k nearest (incl. self when loop)
    valid = neg_vals > (-BIG * 0.5)
    tgt = jnp.broadcast_to(jnp.arange(n)[:, None], (n, k))
    src = jnp.where(valid, idx, tgt)  # pad invalid slots with self-loops
    edge_index = jnp.stack([src.reshape(-1), tgt.reshape(-1)], axis=0)
    return edge_index


def reference(pos, batch):
    edge_index = radius_graph_fixed(pos, batch, CUTOFF, MAX_NUM_NEIGHBORS, LOOP)
    edge_vec = pos[edge_index[0]] - pos[edge_index[1]]
    if LOOP:
        nonself = edge_index[0] != edge_index[1]
        vec_safe = jnp.where(nonself[:, None], edge_vec, 1.0)
        edge_weight = jnp.where(
            nonself, jnp.sqrt(jnp.sum(vec_safe * vec_safe, axis=-1)), 0.0
        )
    else:
        edge_weight = jnp.sqrt(jnp.sum(edge_vec * edge_vec, axis=-1) + 1e-12)
    return edge_index, edge_weight, edge_vec

if __name__ == "__main__":
    import jax
    _d = setup_inputs()
    print(jax.jit(kernel)(*tuple(_d.values())))

</pallas_src>

<mosaic_0001>
#map = affine_map<(d0, d1) -> (0)>
module attributes {stable_mosaic.version = 14 : i64} {
  func.func @_body(%arg0: i32, %arg1: i32, %arg2: memref<8720xf32, #tpu.memory_space<hbm>>, %arg3: memref<8720xf32, #tpu.memory_space<hbm>>, %arg4: memref<8720xf32, #tpu.memory_space<hbm>>, %arg5: memref<8192xi32, #tpu.memory_space<hbm>>, %arg6: memref<88xi32, #tpu.memory_space<hbm>>, %arg7: memref<262144xi32, #tpu.memory_space<hbm>>, %arg8: memref<262144xi32, #tpu.memory_space<hbm>>, %arg9: memref<262144xf32, #tpu.memory_space<hbm>>, %arg10: memref<262144xf32, #tpu.memory_space<hbm>>, %arg11: memref<262144xf32, #tpu.memory_space<hbm>>, %arg12: memref<262144xf32, #tpu.memory_space<hbm>>, %arg13: memref<8736xf32, #tpu.memory_space<vmem>>, %arg14: memref<8736xf32, #tpu.memory_space<vmem>>, %arg15: memref<8736xf32, #tpu.memory_space<vmem>>, %arg16: memref<8736xf32, #tpu.memory_space<vmem>>, %arg17: memref<8736xf32, #tpu.memory_space<vmem>>, %arg18: memref<8736xf32, #tpu.memory_space<vmem>>, %arg19: memref<8736xf32, #tpu.memory_space<vmem>>, %arg20: memref<272xi32, #tpu.memory_space<vmem>>, %arg21: memref<88xi32, #tpu.memory_space<vmem>>, %arg22: memref<8192xi32, #tpu.memory_space<vmem>>, %arg23: memref<8192xi32, #tpu.memory_space<vmem>>, %arg24: memref<8192xf32, #tpu.memory_space<vmem>>, %arg25: memref<8192xf32, #tpu.memory_space<vmem>>, %arg26: memref<8192xf32, #tpu.memory_space<vmem>>, %arg27: memref<8192xf32, #tpu.memory_space<vmem>>, %arg28: memref<!tpu.dma_semaphore, #tpu.memory_space<semaphore_mem>>) attributes {dimension_semantics = [#tpu.dimension_semantics<core_parallel>, #tpu.dimension_semantics<subcore_parallel>], iteration_bounds = array<i64: 2, 16>, scalar_prefetch = 0 : i64, scratch_operands = 16 : i64, tpu.core_type = #tpu.core_type<sc_vector_subcore>, window_params = [{transform_indices = #map}, {transform_indices = #map}, {transform_indices = #map}, {transform_indices = #map}, {transform_indices = #map}, {transform_indices = #map}, {transform_indices = #map}, {transform_indices = #map}, {transform_indices = #map}, {transform_indices = #map}, {transform_indices = #map}]} {
    %mul3A = arith.constant 2 : i32
    %mul3A_0 = arith.muli %arg1, %mul3A : i32
    %add3A = arith.addi %mul3A_0, %arg0 : i32
    %mul3A_1 = arith.constant 256 : i32
    %mul3A_2 = arith.muli %add3A, %mul3A_1 : i32
    "tpu.trace_start"() <{level = 10 : i32, message = "stage"}> : () -> ()
    "tpu.region"() ({
      %run_scoped3A = tpu.sem_alloc : memref<!tpu.dma_semaphore, #tpu.memory_space<semaphore_mem>>
      %dma_start3A_112 = arith.constant 0 : i32
      %dma_start3A_113 = tpu.memref_slice %arg20[%dma_start3A_112] : memref<272xi32, #tpu.memory_space<vmem>> -> memref<256xi32, #tpu.memory_space<vmem>>
      %dma_start3A_114 = tpu.memref_slice %arg5[%mul3A_2] : memref<8192xi32, #tpu.memory_space<hbm>> -> memref<256xi32, #tpu.memory_space<hbm>>
      %dma_start3A_115 = arith.constant 0 : i32
      %dma_start3A_116 = tpu.memref_slice %arg20[%dma_start3A_115] : memref<272xi32, #tpu.memory_space<vmem>> -> memref<256xi32, #tpu.memory_space<vmem>>
      %dma_start3A_117 = tpu.memref_slice %arg5[%mul3A_2] : memref<8192xi32, #tpu.memory_space<hbm>> -> memref<256xi32, #tpu.memory_space<hbm>>
      tpu.enqueue_dma source(%dma_start3A_117 : memref<256xi32, #tpu.memory_space<hbm>>) target(%dma_start3A_116 : memref<256xi32, #tpu.memory_space<vmem>>) target_semaphore(%run_scoped3A : memref<!tpu.dma_semaphore, #tpu.memory_space<semaphore_mem>>)
      %dma_wait3A_118 = arith.constant 0 : i32
      %dma_wait3A_119 = tpu.memref_slice %arg20[%dma_wait3A_118] : memref<272xi32, #tpu.memory_space<vmem>> -> memref<256xi32, #tpu.memory_space<vmem>>
      %dma_wait3A_120 = tpu.memref_slice %arg5[%mul3A_2] : memref<8192xi32, #tpu.memory_space<hbm>> -> memref<256xi32, #tpu.memory_space<hbm>>
      %dma_wait3A_121 = arith.constant 0 : i32
      %dma_wait3A_122 = tpu.memref_slice %arg20[%dma_wait3A_121] : memref<272xi32, #tpu.memory_space<vmem>> -> memref<256xi32, #tpu.memory_space<vmem>>
      %dma_wait3A_123 = tpu.memref_slice %arg5[%mul3A_2] : memref<8192xi32, #tpu.memory_space<hbm>> -> memref<256xi32, #tpu.memory_space<hbm>>
      tpu.wait_dma2 semaphore(%run_scoped3A : memref<!tpu.dma_semaphore, #tpu.memory_space<semaphore_mem>>) src(%dma_wait3A_123 : memref<256xi32, #tpu.memory_space<hbm>>) dst(%dma_wait3A_122 : memref<256xi32, #tpu.memory_space<vmem>>)
      tpu.yield
    }) : () -> ()
    "tpu.region"() ({
      %run_scoped3A = tpu.sem_alloc : memref<!tpu.dma_semaphore, #tpu.memory_space<semaphore_mem>>
      tpu.enqueue_dma source(%arg6 : memref<88xi32, #tpu.memory_space<hbm>>) target(%arg21 : memref<88xi32, #tpu.memory_space<vmem>>) target_semaphore(%run_scoped3A : memref<!tpu.dma_semaphore, #tpu.memory_space<semaphore_mem>>)
      tpu.wait_dma2 semaphore(%run_scoped3A : memref<!tpu.dma_semaphore, #tpu.memory_space<semaphore_mem>>) src(%arg6 : memref<88xi32, #tpu.memory_space<hbm>>) dst(%arg21 : memref<88xi32, #tpu.memory_space<vmem>>)
      tpu.yield
    }) : () -> ()
    "tpu.trace_stop"() : () -> ()
    %get3A = arith.constant 0 : index
    %get3A_3 = tpu.vector_load %arg20[%get3A] {strides = array<i32>} : memref<272xi32, #tpu.memory_space<vmem>>, vector<16xi32>,
    %slice3A = vector.extract_strided_slice %get3A_3 {offsets = [0], sizes = [1], strides = [1]} : vector<16xi32> to vector<1xi32>
    %squeeze3A = vector.extract %slice3A[0] : i32 from vector<1xi32>
    %get3A_4 = arith.constant 255 : index
    %get3A_5 = tpu.vector_load %arg20[%get3A_4] {strides = array<i32>} : memref<272xi32, #tpu.memory_space<vmem>>, vector<16xi32>,
    %slice3A_6 = vector.extract_strided_slice %get3A_5 {offsets = [0], sizes = [1], strides = [1]} : vector<16xi32> to vector<1xi32>
    %squeeze3A_7 = vector.extract %slice3A_6[0] : i32 from vector<1xi32>
    %get3A_8 = arith.index_cast %squeeze3A : i32 to index
    %get3A_9 = tpu.vector_load %arg21[%get3A_8] {strides = array<i32>} : memref<88xi32, #tpu.memory_space<vmem>>, vector<16xi32>,
    %slice3A_10 = vector.extract_strided_slice %get3A_9 {offsets = [0], sizes = [1], strides = [1]} : vector<16xi32> to vector<1xi32>
    %squeeze3A_11 = vector.extract %slice3A_10[0] : i32 from vector<1xi32>
    %get3A_12 = arith.index_cast %squeeze3A_7 : i32 to index
    %get3A_13 = tpu.vector_load %arg21[%get3A_12] {strides = array<i32>} : memref<88xi32, #tpu.memory_space<vmem>>, vector<16xi32>,
    %slice3A_14 = vector.extract_strided_slice %get3A_13 {offsets = [1], sizes = [1], strides = [1]} : vector<16xi32> to vector<1xi32>
    %squeeze3A_15 = vector.extract %slice3A_14[0] : i32 from vector<1xi32>
    %and3A = arith.constant -8 : i32
    %and3A_16 = arith.andi %squeeze3A_11, %and3A : i32
    %multiple_of3A = tpu.assume_multiple %and3A_16, 8 : i32
    %sub3A = arith.subi %squeeze3A_15, %multiple_of3A : i32
    "tpu.trace_start"() <{level = 10 : i32, message = "copyin"}> : () -> ()
    %add3A_17 = arith.constant 16 : i32
    %add3A_18 = arith.addi %sub3A, %add3A_17 : i32
    %add3A_19 = arith.constant 512 : i32
    %add3A_20 = arith.addi %add3A_18, %add3A_19 : i32
    %sub3A_21 = arith.constant 1 : i32
    %sub3A_22 = arith.subi %add3A_20, %sub3A_21 : i32
    %jit3A = arith.constant 512 : i32
    %div3A = arith.divsi %sub3A_22, %jit3A : i32
    %sign3A = arith.constant 0 : i32
    %sign3A_23 = arith.cmpi sgt, %sub3A_22, %sign3A : i32
    %sign3A_24 = arith.extui %sign3A_23 : i1 to i32
    %sign3A_25 = arith.constant 0 : i32
    %sign3A_26 = arith.cmpi slt, %sub3A_22, %sign3A_25 : i32
    %sign3A_27 = arith.extui %sign3A_26 : i1 to i32
    %sign3A_28 = arith.subi %sign3A_24, %sign3A_27 : i32
    %sign3A_29 = arith.constant 0 : i32
    %sign3A_30 = arith.cmpi sgt, %jit3A, %sign3A_29 : i32
    %sign3A_31 = arith.extui %sign3A_30 : i1 to i32
    %sign3A_32 = arith.constant 0 : i32
    %sign3A_33 = arith.cmpi slt, %jit3A, %sign3A_32 : i32
    %sign3A_34 = arith.extui %sign3A_33 : i1 to i32
    %sign3A_35 = arith.subi %sign3A_31, %sign3A_34 : i32
    %ne3A = arith.cmpi ne, %sign3A_28, %sign3A_35 : i32
    %rem3A = arith.remsi %sub3A_22, %jit3A : i32
    %ne3A_36 = arith.constant 0 : i32
    %ne3A_37 = arith.cmpi ne, %rem3A, %ne3A_36 : i32
    %and3A_38 = arith.andi %ne3A, %ne3A_37 : i1
    %sub3A_39 = arith.constant 1 : i32
    %sub3A_40 = arith.subi %div3A, %sub3A_39 : i32
    %select_n3A = arith.select %and3A_38, %sub3A_40, %div3A : i32
    %while3A = arith.constant 0 : i32
    %while3A_41 = arith.subi %select_n3A, %while3A : i32
    %while3A_42 = arith.addi %while3A, %while3A_41 : i32
    %while3A_43 = arith.constant 1 : i32
    %while3A_44 = arith.divsi %while3A_41, %while3A_43 : i32
    %while3A_45 = arith.muli %while3A_44, %while3A_43 : i32
    %while3A_46 = arith.addi %while3A, %while3A_45 : i32
    %while3A_47 = arith.constant 1 : i32
    scf.for %while3A_112 = %while3A to %while3A_46 step %while3A_47  : i32 {
      %mul3A_113 = arith.constant 512 : i32
      %mul3A_114 = arith.muli %while3A_112, %mul3A_113 : i32
      %add3A_115 = arith.addi %multiple_of3A, %mul3A_114 : i32
      %dma_start3A_116 = tpu.memref_slice %arg13[%mul3A_114] : memref<8736xf32, #tpu.memory_space<vmem>> -> memref<512xf32, #tpu.memory_space<vmem>>
      %dma_start3A_117 = tpu.memref_slice %arg2[%add3A_115] : memref<8720xf32, #tpu.memory_space<hbm>> -> memref<512xf32, #tpu.memory_space<hbm>>
      %dma_start3A_118 = tpu.memref_slice %arg13[%mul3A_114] : memref<8736xf32, #tpu.memory_space<vmem>> -> memref<512xf32, #tpu.memory_space<vmem>>
      %dma_start3A_119 = tpu.memref_slice %arg2[%add3A_115] : memref<8720xf32, #tpu.memory_space<hbm>> -> memref<512xf32, #tpu.memory_space<hbm>>
      tpu.enqueue_dma source(%dma_start3A_119 : memref<512xf32, #tpu.memory_space<hbm>>) target(%dma_start3A_118 : memref<512xf32, #tpu.memory_space<vmem>>) target_semaphore(%arg28 : memref<!tpu.dma_semaphore, #tpu.memory_space<semaphore_mem>>)
      %add3A_120 = arith.addi %multiple_of3A, %mul3A_114 : i32
      %dma_start3A_121 = tpu.memref_slice %arg14[%mul3A_114] : memref<8736xf32, #tpu.memory_space<vmem>> -> memref<512xf32, #tpu.memory_space<vmem>>
      %dma_start3A_122 = tpu.memref_slice %arg3[%add3A_120] : memref<8720xf32, #tpu.memory_space<hbm>> -> memref<512xf32, #tpu.memory_space<hbm>>
      %dma_start3A_123 = tpu.memref_slice %arg14[%mul3A_114] : memref<8736xf32, #tpu.memory_space<vmem>> -> memref<512xf32, #tpu.memory_space<vmem>>
      %dma_start3A_124 = tpu.memref_slice %arg3[%add3A_120] : memref<8720xf32, #tpu.memory_space<hbm>> -> memref<512xf32, #tpu.memory_space<hbm>>
      tpu.enqueue_dma source(%dma_start3A_124 : memref<512xf32, #tpu.memory_space<hbm>>) target(%dma_start3A_123 : memref<512xf32, #tpu.memory_space<vmem>>) target_semaphore(%arg28 : memref<!tpu.dma_semaphore, #tpu.memory_space<semaphore_mem>>)
      %add3A_125 = arith.addi %multiple_of3A, %mul3A_114 : i32
      %dma_start3A_126 = tpu.memref_slice %arg15[%mul3A_114] : memref<8736xf32, #tpu.memory_space<vmem>> -> memref<512xf32, #tpu.memory_space<vmem>>
      %dma_start3A_127 = tpu.memref_slice %arg4[%add3A_125] : memref<8720xf32, #tpu.memory_space<hbm>> -> memref<512xf32, #tpu.memory_space<hbm>>
      %dma_start3A_128 = tpu.memref_slice %arg15[%mul3A_114] : memref<8736xf32, #tpu.memory_space<vmem>> -> memref<512xf32, #tpu.memory_space<vmem>>
      %dma_start3A_129 = tpu.memref_slice %arg4[%add3A_125] : memref<8720xf32, #tpu.memory_space<hbm>> -> memref<512xf32, #tpu.memory_space<hbm>>
      tpu.enqueue_dma source(%dma_start3A_129 : memref<512xf32, #tpu.memory_space<hbm>>) target(%dma_start3A_128 : memref<512xf32, #tpu.memory_space<vmem>>) target_semaphore(%arg28 : memref<!tpu.dma_semaphore, #tpu.memory_space<semaphore_mem>>)
      %dma_wait3A_130 = tpu.memref_slice %arg13[%mul3A_114] : memref<8736xf32, #tpu.memory_space<vmem>> -> memref<512xf32, #tpu.memory_space<vmem>>
      %dma_wait3A_131 = tpu.memref_slice %arg2[%add3A_115] : memref<8720xf32, #tpu.memory_space<hbm>> -> memref<512xf32, #tpu.memory_space<hbm>>
      %dma_wait3A_132 = tpu.memref_slice %arg13[%mul3A_114] : memref<8736xf32, #tpu.memory_space<vmem>> -> memref<512xf32, #tpu.memory_space<vmem>>
      %dma_wait3A_133 = tpu.memref_slice %arg2[%add3A_115] : memref<8720xf32, #tpu.memory_space<hbm>> -> memref<512xf32, #tpu.memory_space<hbm>>
      tpu.wait_dma2 semaphore(%arg28 : memref<!tpu.dma_semaphore, #tpu.memory_space<semaphore_mem>>) src(%dma_wait3A_133 : memref<512xf32, #tpu.memory_space<hbm>>) dst(%dma_wait3A_132 : memref<512xf32, #tpu.memory_space<vmem>>)
      %dma_wait3A_134 = tpu.memref_slice %arg14[%mul3A_114] : memref<8736xf32, #tpu.memory_space<vmem>> -> memref<512xf32, #tpu.memory_space<vmem>>
      %dma_wait3A_135 = tpu.memref_slice %arg3[%add3A_120] : memref<8720xf32, #tpu.memory_space<hbm>> -> memref<512xf32, #tpu.memory_space<hbm>>
      %dma_wait3A_136 = tpu.memref_slice %arg14[%mul3A_114] : memref<8736xf32, #tpu.memory_space<vmem>> -> memref<512xf32, #tpu.memory_space<vmem>>
      %dma_wait3A_137 = tpu.memref_slice %arg3[%add3A_120] : memref<8720xf32, #tpu.memory_space<hbm>> -> memref<512xf32, #tpu.memory_space<hbm>>
      tpu.wait_dma2 semaphore(%arg28 : memref<!tpu.dma_semaphore, #tpu.memory_space<semaphore_mem>>) src(%dma_wait3A_137 : memref<512xf32, #tpu.memory_space<hbm>>) dst(%dma_wait3A_136 : memref<512xf32, #tpu.memory_space<vmem>>)
      %dma_wait3A_138 = tpu.memref_slice %arg15[%mul3A_114] : memref<8736xf32, #tpu.memory_space<vmem>> -> memref<512xf32, #tpu.memory_space<vmem>>
      %dma_wait3A_139 = tpu.memref_slice %arg4[%add3A_125] : memref<8720xf32, #tpu.memory_space<hbm>> -> memref<512xf32, #tpu.memory_space<hbm>>
      %dma_wait3A_140 = tpu.memref_slice %arg15[%mul3A_114] : memref<8736xf32, #tpu.memory_space<vmem>> -> memref<512xf32, #tpu.memory_space<vmem>>
      %dma_wait3A_141 = tpu.memref_slice %arg4[%add3A_125] : memref<8720xf32, #tpu.memory_space<hbm>> -> memref<512xf32, #tpu.memory_space<hbm>>
      tpu.wait_dma2 semaphore(%arg28 : memref<!tpu.dma_semaphore, #tpu.memory_space<semaphore_mem>>) src(%dma_wait3A_141 : memref<512xf32, #tpu.memory_space<hbm>>) dst(%dma_wait3A_140 : memref<512xf32, #tpu.memory_space<vmem>>)
    }
    %while3A_48 = arith.constant 1 : i32
    scf.for %while3A_112 = %while3A_46 to %while3A_42 step %while3A_48  : i32 {
      %mul3A_113 = arith.constant 512 : i32
      %mul3A_114 = arith.muli %while3A_112, %mul3A_113 : i32
      %add3A_115 = arith.addi %multiple_of3A, %mul3A_114 : i32
      %dma_start3A_116 = tpu.memref_slice %arg13[%mul3A_114] : memref<8736xf32, #tpu.memory_space<vmem>> -> memref<512xf32, #tpu.memory_space<vmem>>
      %dma_start3A_117 = tpu.memref_slice %arg2[%add3A_115] : memref<8720xf32, #tpu.memory_space<hbm>> -> memref<512xf32, #tpu.memory_space<hbm>>
      %dma_start3A_118 = tpu.memref_slice %arg13[%mul3A_114] : memref<8736xf32, #tpu.memory_space<vmem>> -> memref<512xf32, #tpu.memory_space<vmem>>
      %dma_start3A_119 = tpu.memref_slice %arg2[%add3A_115] : memref<8720xf32, #tpu.memory_space<hbm>> -> memref<512xf32, #tpu.memory_space<hbm>>
      tpu.enqueue_dma source(%dma_start3A_119 : memref<512xf32, #tpu.memory_space<hbm>>) target(%dma_start3A_118 : memref<512xf32, #tpu.memory_space<vmem>>) target_semaphore(%arg28 : memref<!tpu.dma_semaphore, #tpu.memory_space<semaphore_mem>>)
      %add3A_120 = arith.addi %multiple_of3A, %mul3A_114 : i32
      %dma_start3A_121 = tpu.memref_slice %arg14[%mul3A_114] : memref<8736xf32, #tpu.memory_space<vmem>> -> memref<512xf32, #tpu.memory_space<vmem>>
      %dma_start3A_122 = tpu.memref_slice %arg3[%add3A_120] : memref<8720xf32, #tpu.memory_space<hbm>> -> memref<512xf32, #tpu.memory_space<hbm>>
      %dma_start3A_123 = tpu.memref_slice %arg14[%mul3A_114] : memref<8736xf32, #tpu.memory_space<vmem>> -> memref<512xf32, #tpu.memory_space<vmem>>
      %dma_start3A_124 = tpu.memref_slice %arg3[%add3A_120] : memref<8720xf32, #tpu.memory_space<hbm>> -> memref<512xf32, #tpu.memory_space<hbm>>
      tpu.enqueue_dma source(%dma_start3A_124 : memref<512xf32, #tpu.memory_space<hbm>>) target(%dma_start3A_123 : memref<512xf32, #tpu.memory_space<vmem>>) target_semaphore(%arg28 : memref<!tpu.dma_semaphore, #tpu.memory_space<semaphore_mem>>)
      %add3A_125 = arith.addi %multiple_of3A, %mul3A_114 : i32
      %dma_start3A_126 = tpu.memref_slice %arg15[%mul3A_114] : memref<8736xf32, #tpu.memory_space<vmem>> -> memref<512xf32, #tpu.memory_space<vmem>>
      %dma_start3A_127 = tpu.memref_slice %arg4[%add3A_125] : memref<8720xf32, #tpu.memory_space<hbm>> -> memref<512xf32, #tpu.memory_space<hbm>>
      %dma_start3A_128 = tpu.memref_slice %arg15[%mul3A_114] : memref<8736xf32, #tpu.memory_space<vmem>> -> memref<512xf32, #tpu.memory_space<vmem>>
      %dma_start3A_129 = tpu.memref_slice %arg4[%add3A_125] : memref<8720xf32, #tpu.memory_space<hbm>> -> memref<512xf32, #tpu.memory_space<hbm>>
      tpu.enqueue_dma source(%dma_start3A_129 : memref<512xf32, #tpu.memory_space<hbm>>) target(%dma_start3A_128 : memref<512xf32, #tpu.memory_space<vmem>>) target_semaphore(%arg28 : memref<!tpu.dma_semaphore, #tpu.memory_space<semaphore_mem>>)
      %dma_wait3A_130 = tpu.memref_slice %arg13[%mul3A_114] : memref<8736xf32, #tpu.memory_space<vmem>> -> memref<512xf32, #tpu.memory_space<vmem>>
      %dma_wait3A_131 = tpu.memref_slice %arg2[%add3A_115] : memref<8720xf32, #tpu.memory_space<hbm>> -> memref<512xf32, #tpu.memory_space<hbm>>
      %dma_wait3A_132 = tpu.memref_slice %arg13[%mul3A_114] : memref<8736xf32, #tpu.memory_space<vmem>> -> memref<512xf32, #tpu.memory_space<vmem>>
      %dma_wait3A_133 = tpu.memref_slice %arg2[%add3A_115] : memref<8720xf32, #tpu.memory_space<hbm>> -> memref<512xf32, #tpu.memory_space<hbm>>
      tpu.wait_dma2 semaphore(%arg28 : memref<!tpu.dma_semaphore, #tpu.memory_space<semaphore_mem>>) src(%dma_wait3A_133 : memref<512xf32, #tpu.memory_space<hbm>>) dst(%dma_wait3A_132 : memref<512xf32, #tpu.memory_space<vmem>>)
      %dma_wait3A_134 = tpu.memref_slice %arg14[%mul3A_114] : memref<8736xf32, #tpu.memory_space<vmem>> -> memref<512xf32, #tpu.memory_space<vmem>>
      %dma_wait3A_135 = tpu.memref_slice %arg3[%add3A_120] : memref<8720xf32, #tpu.memory_space<hbm>> -> memref<512xf32, #tpu.memory_space<hbm>>
      %dma_wait3A_136 = tpu.memref_slice %arg14[%mul3A_114] : memref<8736xf32, #tpu.memory_space<vmem>> -> memref<512xf32, #tpu.memory_space<vmem>>
      %dma_wait3A_137 = tpu.memref_slice %arg3[%add3A_120] : memref<8720xf32, #tpu.memory_space<hbm>> -> memref<512xf32, #tpu.memory_space<hbm>>
      tpu.wait_dma2 semaphore(%arg28 : memref<!tpu.dma_semaphore, #tpu.memory_space<semaphore_mem>>) src(%dma_wait3A_137 : memref<512xf32, #tpu.memory_space<hbm>>) dst(%dma_wait3A_136 : memref<512xf32, #tpu.memory_space<vmem>>)
      %dma_wait3A_138 = tpu.memref_slice %arg15[%mul3A_114] : memref<8736xf32, #tpu.memory_space<vmem>> -> memref<512xf32, #tpu.memory_space<vmem>>
      %dma_wait3A_139 = tpu.memref_slice %arg4[%add3A_125] : memref<8720xf32, #tpu.memory_space<hbm>> -> memref<512xf32, #tpu.memory_space<hbm>>
      %dma_wait3A_140 = tpu.memref_slice %arg15[%mul3A_114] : memref<8736xf32, #tpu.memory_space<vmem>> -> memref<512xf32, #tpu.memory_space<vmem>>
      %dma_wait3A_141 = tpu.memref_slice %arg4[%add3A_125] : memref<8720xf32, #tpu.memory_space<hbm>> -> memref<512xf32, #tpu.memory_space<hbm>>
      tpu.wait_dma2 semaphore(%arg28 : memref<!tpu.dma_semaphore, #tpu.memory_space<semaphore_mem>>) src(%dma_wait3A_141 : memref<512xf32, #tpu.memory_space<hbm>>) dst(%dma_wait3A_140 : memref<512xf32, #tpu.memory_space<vmem>>)
    }
    %jit3A_49 = arith.constant 16 : i32
    "tpu.trace_stop"() : () -> ()
    "tpu.trace_start"() <{level = 10 : i32, message = "pre"}> : () -> ()
    %div3A_50 = arith.divsi %sub3A, %jit3A_49 : i32
    %sign3A_51 = arith.constant 0 : i32
    %sign3A_52 = arith.cmpi sgt, %sub3A, %sign3A_51 : i32
    %sign3A_53 = arith.extui %sign3A_52 : i1 to i32
    %sign3A_54 = arith.constant 0 : i32
    %sign3A_55 = arith.cmpi slt, %sub3A, %sign3A_54 : i32
    %sign3A_56 = arith.extui %sign3A_55 : i1 to i32
    %sign3A_57 = arith.subi %sign3A_53, %sign3A_56 : i32
    %sign3A_58 = arith.constant 0 : i32
    %sign3A_59 = arith.cmpi sgt, %jit3A_49, %sign3A_58 : i32
    %sign3A_60 = arith.extui %sign3A_59 : i1 to i32
    %sign3A_61 = arith.constant 0 : i32
    %sign3A_62 = arith.cmpi slt, %jit3A_49, %sign3A_61 : i32
    %sign3A_63 = arith.extui %sign3A_62 : i1 to i32
    %sign3A_64 = arith.subi %sign3A_60, %sign3A_63 : i32
    %ne3A_65 = arith.cmpi ne, %sign3A_57, %sign3A_64 : i32
    %rem3A_66 = arith.remsi %sub3A, %jit3A_49 : i32
    %ne3A_67 = arith.constant 0 : i32
    %ne3A_68 = arith.cmpi ne, %rem3A_66, %ne3A_67 : i32
    %and3A_69 = arith.andi %ne3A_65, %ne3A_68 : i1
    %sub3A_70 = arith.constant 1 : i32
    %sub3A_71 = arith.subi %div3A_50, %sub3A_70 : i32
    %select_n3A_72 = arith.select %and3A_69, %sub3A_71, %div3A_50 : i32
    %add3A_73 = arith.constant 1 : i32
    %add3A_74 = arith.addi %select_n3A_72, %add3A_73 : i32
    %while3A_75 = arith.constant 0 : i32
    %while3A_76 = arith.subi %add3A_74, %while3A_75 : i32
    %while3A_77 = arith.addi %while3A_75, %while3A_76 : i32
    %while3A_78 = arith.constant 1 : i32
    %while3A_79 = arith.divsi %while3A_76, %while3A_78 : i32
    %while3A_80 = arith.muli %while3A_79, %while3A_78 : i32
    %while3A_81 = arith.addi %while3A_75, %while3A_80 : i32
    %while3A_82 = arith.constant 1 : i32
    scf.for %while3A_112 = %while3A_75 to %while3A_81 step %while3A_82  : i32 {
      %mul3A_113 = arith.constant 16 : i32
      %mul3A_114 = arith.muli %while3A_112, %mul3A_113 : i32
      %get3A_115 = arith.index_cast %mul3A_114 : i32 to index
      %get3A_116 = tpu.vector_load %arg13[%get3A_115] {strides = array<i32>} : memref<8736xf32, #tpu.memory_space<vmem>>, vector<16xf32>,
      %get3A_117 = arith.index_cast %mul3A_114 : i32 to index
      %get3A_118 = tpu.vector_load %arg14[%get3A_117] {strides = array<i32>} : memref<8736xf32, #tpu.memory_space<vmem>>, vector<16xf32>,
      %get3A_119 = arith.index_cast %mul3A_114 : i32 to index
      %get3A_120 = tpu.vector_load %arg15[%get3A_119] {strides = array<i32>} : memref<8736xf32, #tpu.memory_space<vmem>>, vector<16xf32>,
      %bitcast3A = vector.bitcast %get3A_116 : vector<16xf32> to vector<16xi32>
      %add3A_121 = arith.constant 32767 : i32
      %add3A_122 = vector.broadcast %add3A_121 : i32 to vector<16xi32>
      %add3A_123 = arith.addi %bitcast3A, %add3A_122 : vector<16xi32>
      %shift_right_logical3A = arith.constant 16 : i32
      %shift_right_logical3A_124 = vector.broadcast %shift_right_logical3A : i32 to vector<16xi32>
      %shift_right_logical3A_125 = arith.shrui %bitcast3A, %shift_right_logical3A_124 : vector<16xi32>
      %and3A_126 = arith.constant 1 : i32
      %and3A_127 = vector.broadcast %and3A_126 : i32 to vector<16xi32>
      %and3A_128 = arith.andi %shift_right_logical3A_125, %and3A_127 : vector<16xi32>
      %add3A_129 = arith.addi %add3A_123, %and3A_128 : vector<16xi32>
      %and3A_130 = arith.constant -65536 : i32
      %and3A_131 = vector.broadcast %and3A_130 : i32 to vector<16xi32>
      %and3A_132 = arith.andi %add3A_129, %and3A_131 : vector<16xi32>
      %bitcast3A_133 = vector.bitcast %and3A_132 : vector<16xi32> to vector<16xf32>
      %swap3A = arith.index_cast %mul3A_114 : i32 to index
      %swap3A_134 = tpu.vector_load %arg16[%swap3A] {strides = array<i32>} : memref<8736xf32, #tpu.memory_space<vmem>>, vector<16xf32>,
      tpu.vector_store %arg16[%swap3A], %bitcast3A_133 {strides = array<i32>} : memref<8736xf32, #tpu.memory_space<vmem>>, vector<16xf32>,
      %bitcast3A_135 = vector.bitcast %get3A_118 : vector<16xf32> to vector<16xi32>
      %add3A_136 = arith.constant 32767 : i32
      %add3A_137 = vector.broadcast %add3A_136 : i32 to vector<16xi32>
      %add3A_138 = arith.addi %bitcast3A_135, %add3A_137 : vector<16xi32>
      %shift_right_logical3A_139 = arith.constant 16 : i32
      %shift_right_logical3A_140 = vector.broadcast %shift_right_logical3A_139 : i32 to vector<16xi32>
      %shift_right_logical3A_141 = arith.shrui %bitcast3A_135, %shift_right_logical3A_140 : vector<16xi32>
      %and3A_142 = arith.constant 1 : i32
      %and3A_143 = vector.broadcast %and3A_142 : i32 to vector<16xi32>
      %and3A_144 = arith.andi %shift_right_logical3A_141, %and3A_143 : vector<16xi32>
      %add3A_145 = arith.addi %add3A_138, %and3A_144 : vector<16xi32>
      %and3A_146 = arith.constant -65536 : i32
      %and3A_147 = vector.broadcast %and3A_146 : i32 to vector<16xi32>
      %and3A_148 = arith.andi %add3A_145, %and3A_147 : vector<16xi32>
      %bitcast3A_149 = vector.bitcast %and3A_148 : vector<16xi32> to vector<16xf32>
      %swap3A_150 = arith.index_cast %mul3A_114 : i32 to index
      %swap3A_151 = tpu.vector_load %arg17[%swap3A_150] {strides = array<i32>} : memref<8736xf32, #tpu.memory_space<vmem>>, vector<16xf32>,
      tpu.vector_store %arg17[%swap3A_150], %bitcast3A_149 {strides = array<i32>} : memref<8736xf32, #tpu.memory_space<vmem>>, vector<16xf32>,
      %bitcast3A_152 = vector.bitcast %get3A_120 : vector<16xf32> to vector<16xi32>
      %add3A_153 = arith.constant 32767 : i32
      %add3A_154 = vector.broadcast %add3A_153 : i32 to vector<16xi32>
      %add3A_155 = arith.addi %bitcast3A_152, %add3A_154 : vector<16xi32>
      %shift_right_logical3A_156 = arith.constant 16 : i32
      %shift_right_logical3A_157 = vector.broadcast %shift_right_logical3A_156 : i32 to vector<16xi32>
      %shift_right_logical3A_158 = arith.shrui %bitcast3A_152, %shift_right_logical3A_157 : vector<16xi32>
      %and3A_159 = arith.constant 1 : i32
      %and3A_160 = vector.broadcast %and3A_159 : i32 to vector<16xi32>
      %and3A_161 = arith.andi %shift_right_logical3A_158, %and3A_160 : vector<16xi32>
      %add3A_162 = arith.addi %add3A_155, %and3A_161 : vector<16xi32>
      %and3A_163 = arith.constant -65536 : i32
      %and3A_164 = vector.broadcast %and3A_163 : i32 to vector<16xi32>
      %and3A_165 = arith.andi %add3A_162, %and3A_164 : vector<16xi32>
      %bitcast3A_166 = vector.bitcast %and3A_165 : vector<16xi32> to vector<16xf32>
      %swap3A_167 = arith.index_cast %mul3A_114 : i32 to index
      %swap3A_168 = tpu.vector_load %arg18[%swap3A_167] {strides = array<i32>} : memref<8736xf32, #tpu.memory_space<vmem>>, vector<16xf32>,
      tpu.vector_store %arg18[%swap3A_167], %bitcast3A_166 {strides = array<i32>} : memref<8736xf32, #tpu.memory_space<vmem>>, vector<16xf32>,
      %mul3A_169 = arith.mulf %get3A_116, %get3A_116 : vector<16xf32>
      %mul3A_170 = arith.mulf %get3A_118, %get3A_118 : vector<16xf32>
      %add3A_171 = arith.addf %mul3A_169, %mul3A_170 : vector<16xf32>
      %mul3A_172 = arith.mulf %get3A_120, %get3A_120 : vector<16xf32>
      %add3A_173 = arith.addf %add3A_171, %mul3A_172 : vector<16xf32>
      %swap3A_174 = arith.index_cast %mul3A_114 : i32 to index
      %swap3A_175 = tpu.vector_load %arg19[%swap3A_174] {strides = array<i32>} : memref<8736xf32, #tpu.memory_space<vmem>>, vector<16xf32>,
      tpu.vector_store %arg19[%swap3A_174], %add3A_173 {strides = array<i32>} : memref<8736xf32, #tpu.memory_space<vmem>>, vector<16xf32>,
    }
    %while3A_83 = arith.constant 1 : i32
    scf.for %while3A_112 = %while3A_81 to %while3A_77 step %while3A_83  : i32 {
      %mul3A_113 = arith.constant 16 : i32
      %mul3A_114 = arith.muli %while3A_112, %mul3A_113 : i32
      %get3A_115 = arith.index_cast %mul3A_114 : i32 to index
      %get3A_116 = tpu.vector_load %arg13[%get3A_115] {strides = array<i32>} : memref<8736xf32, #tpu.memory_space<vmem>>, vector<16xf32>,
      %get3A_117 = arith.index_cast %mul3A_114 : i32 to index
      %get3A_118 = tpu.vector_load %arg14[%get3A_117] {strides = array<i32>} : memref<8736xf32, #tpu.memory_space<vmem>>, vector<16xf32>,
      %get3A_119 = arith.index_cast %mul3A_114 : i32 to index
      %get3A_120 = tpu.vector_load %arg15[%get3A_119] {strides = array<i32>} : memref<8736xf32, #tpu.memory_space<vmem>>, vector<16xf32>,
      %bitcast3A = vector.bitcast %get3A_116 : vector<16xf32> to vector<16xi32>
      %add3A_121 = arith.constant 32767 : i32
      %add3A_122 = vector.broadcast %add3A_121 : i32 to vector<16xi32>
      %add3A_123 = arith.addi %bitcast3A, %add3A_122 : vector<16xi32>
      %shift_right_logical3A = arith.constant 16 : i32
      %shift_right_logical3A_124 = vector.broadcast %shift_right_logical3A : i32 to vector<16xi32>
      %shift_right_logical3A_125 = arith.shrui %bitcast3A, %shift_right_logical3A_124 : vector<16xi32>
      %and3A_126 = arith.constant 1 : i32
      %and3A_127 = vector.broadcast %and3A_126 : i32 to vector<16xi32>
      %and3A_128 = arith.andi %shift_right_logical3A_125, %and3A_127 : vector<16xi32>
      %add3A_129 = arith.addi %add3A_123, %and3A_128 : vector<16xi32>
      %and3A_130 = arith.constant -65536 : i32
      %and3A_131 = vector.broadcast %and3A_130 : i32 to vector<16xi32>
      %and3A_132 = arith.andi %add3A_129, %and3A_131 : vector<16xi32>
      %bitcast3A_133 = vector.bitcast %and3A_132 : vector<16xi32> to vector<16xf32>
      %swap3A = arith.index_cast %mul3A_114 : i32 to index
      %swap3A_134 = tpu.vector_load %arg16[%swap3A] {strides = array<i32>} : memref<8736xf32, #tpu.memory_space<vmem>>, vector<16xf32>,
      tpu.vector_store %arg16[%swap3A], %bitcast3A_133 {strides = array<i32>} : memref<8736xf32, #tpu.memory_space<vmem>>, vector<16xf32>,
      %bitcast3A_135 = vector.bitcast %get3A_118 : vector<16xf32> to vector<16xi32>
      %add3A_136 = arith.constant 32767 : i32
      %add3A_137 = vector.broadcast %add3A_136 : i32 to vector<16xi32>
      %add3A_138 = arith.addi %bitcast3A_135, %add3A_137 : vector<16xi32>
      %shift_right_logical3A_139 = arith.constant 16 : i32
      %shift_right_logical3A_140 = vector.broadcast %shift_right_logical3A_139 : i32 to vector<16xi32>
      %shift_right_logical3A_141 = arith.shrui %bitcast3A_135, %shift_right_logical3A_140 : vector<16xi32>
      %and3A_142 = arith.constant 1 : i32
      %and3A_143 = vector.broadcast %and3A_142 : i32 to vector<16xi32>
      %and3A_144 = arith.andi %shift_right_logical3A_141, %and3A_143 : vector<16xi32>
      %add3A_145 = arith.addi %add3A_138, %and3A_144 : vector<16xi32>
      %and3A_146 = arith.constant -65536 : i32
      %and3A_147 = vector.broadcast %and3A_146 : i32 to vector<16xi32>
      %and3A_148 = arith.andi %add3A_145, %and3A_147 : vector<16xi32>
      %bitcast3A_149 = vector.bitcast %and3A_148 : vector<16xi32> to vector<16xf32>
      %swap3A_150 = arith.index_cast %mul3A_114 : i32 to index
      %swap3A_151 = tpu.vector_load %arg17[%swap3A_150] {strides = array<i32>} : memref<8736xf32, #tpu.memory_space<vmem>>, vector<16xf32>,
      tpu.vector_store %arg17[%swap3A_150], %bitcast3A_149 {strides = array<i32>} : memref<8736xf32, #tpu.memory_space<vmem>>, vector<16xf32>,
      %bitcast3A_152 = vector.bitcast %get3A_120 : vector<16xf32> to vector<16xi32>
      %add3A_153 = arith.constant 32767 : i32
      %add3A_154 = vector.broadcast %add3A_153 : i32 to vector<16xi32>
      %add3A_155 = arith.addi %bitcast3A_152, %add3A_154 : vector<16xi32>
      %shift_right_logical3A_156 = arith.constant 16 : i32
      %shift_right_logical3A_157 = vector.broadcast %shift_right_logical3A_156 : i32 to vector<16xi32>
      %shift_right_logical3A_158 = arith.shrui %bitcast3A_152, %shift_right_logical3A_157 : vector<16xi32>
      %and3A_159 = arith.constant 1 : i32
      %and3A_160 = vector.broadcast %and3A_159 : i32 to vector<16xi32>
      %and3A_161 = arith.andi %shift_right_logical3A_158, %and3A_160 : vector<16xi32>
      %add3A_162 = arith.addi %add3A_155, %and3A_161 : vector<16xi32>
      %and3A_163 = arith.constant -65536 : i32
      %and3A_164 = vector.broadcast %and3A_163 : i32 to vector<16xi32>
      %and3A_165 = arith.andi %add3A_162, %and3A_164 : vector<16xi32>
      %bitcast3A_166 = vector.bitcast %and3A_165 : vector<16xi32> to vector<16xf32>
      %swap3A_167 = arith.index_cast %mul3A_114 : i32 to index
      %swap3A_168 = tpu.vector_load %arg18[%swap3A_167] {strides = array<i32>} : memref<8736xf32, #tpu.memory_space<vmem>>, vector<16xf32>,
      tpu.vector_store %arg18[%swap3A_167], %bitcast3A_166 {strides = array<i32>} : memref<8736xf32, #tpu.memory_space<vmem>>, vector<16xf32>,
      %mul3A_169 = arith.mulf %get3A_116, %get3A_116 : vector<16xf32>
      %mul3A_170 = arith.mulf %get3A_118, %get3A_118 : vector<16xf32>
      %add3A_171 = arith.addf %mul3A_169, %mul3A_170 : vector<16xf32>
      %mul3A_172 = arith.mulf %get3A_120, %get3A_120 : vector<16xf32>
      %add3A_173 = arith.addf %add3A_171, %mul3A_172 : vector<16xf32>
      %swap3A_174 = arith.index_cast %mul3A_114 : i32 to index
      %swap3A_175 = tpu.vector_load %arg19[%swap3A_174] {strides = array<i32>} : memref<8736xf32, #tpu.memory_space<vmem>>, vector<16xf32>,
      tpu.vector_store %arg19[%swap3A_174], %add3A_173 {strides = array<i32>} : memref<8736xf32, #tpu.memory_space<vmem>>, vector<16xf32>,
    }
    "tpu.trace_stop"() : () -> ()
    %iota3A = tpu.iota {dimensions = array<i32: 0>} : vector<16xi32>
    "tpu.trace_start"() <{level = 10 : i32, message = "rows"}> : () -> ()
    %scan3A = arith.constant 0 : i32
    %scan3A_84 = arith.constant 128 : i32
    %scan3A_85 = arith.addi %scan3A, %scan3A_84 : i32
    %scan3A_86 = arith.constant 1 : i32
    scf.for %scan3A_112 = %scan3A to %scan3A_85 step %scan3A_86  : i32 {
      %mul3A_113 = arith.constant 2 : i32
      %mul3A_114 = arith.muli %scan3A_112, %mul3A_113 : i32
      %add3A_115 = arith.addi %mul3A_2, %mul3A_114 : i32
      %add3A_116 = arith.constant 1 : i32
      %add3A_117 = arith.addi %add3A_115, %add3A_116 : i32
      %sub3A_118 = arith.subi %add3A_115, %multiple_of3A : i32
      %sub3A_119 = arith.subi %add3A_117, %multiple_of3A : i32
      %mul3A_120 = arith.constant 2 : i32
      %mul3A_121 = arith.muli %scan3A_112, %mul3A_120 : i32
      %get3A_122 = arith.index_cast %mul3A_121 : i32 to index
      %get3A_123 = tpu.vector_load %arg20[%get3A_122] {strides = array<i32>} : memref<272xi32, #tpu.memory_space<vmem>>, vector<16xi32>,
      %slice3A_124 = vector.extract_strided_slice %get3A_123 {offsets = [0], sizes = [1], strides = [1]} : vector<16xi32> to vector<1xi32>
      %squeeze3A_125 = vector.extract %slice3A_124[0] : i32 from vector<1xi32>
      %mul3A_126 = arith.constant 2 : i32
      %mul3A_127 = arith.muli %scan3A_112, %mul3A_126 : i32
      %add3A_128 = arith.constant 1 : i32
      %add3A_129 = arith.addi %mul3A_127, %add3A_128 : i32
      %get3A_130 = arith.index_cast %add3A_129 : i32 to index
      %get3A_131 = tpu.vector_load %arg20[%get3A_130] {strides = array<i32>} : memref<272xi32, #tpu.memory_space<vmem>>, vector<16xi32>,
      %slice3A_132 = vector.extract_strided_slice %get3A_131 {offsets = [0], sizes = [1], strides = [1]} : vector<16xi32> to vector<1xi32>
      %squeeze3A_133 = vector.extract %slice3A_132[0] : i32 from vector<1xi32>
      %get3A_134 = arith.index_cast %squeeze3A_125 : i32 to index
      %get3A_135 = tpu.vector_load %arg21[%get3A_134] {strides = array<i32>} : memref<88xi32, #tpu.memory_space<vmem>>, vector<16xi32>,
      %get3A_136 = arith.index_cast %squeeze3A_133 : i32 to index
      %get3A_137 = tpu.vector_load %arg21[%get3A_136] {strides = array<i32>} : memref<88xi32, #tpu.memory_space<vmem>>, vector<16xi32>,
      %slice3A_138 = vector.extract_strided_slice %get3A_135 {offsets = [0], sizes = [1], strides = [1]} : vector<16xi32> to vector<1xi32>
      %squeeze3A_139 = vector.extract %slice3A_138[0] : i32 from vector<1xi32>
      %slice3A_140 = vector.extract_strided_slice %get3A_135 {offsets = [1], sizes = [1], strides = [1]} : vector<16xi32> to vector<1xi32>
      %squeeze3A_141 = vector.extract %slice3A_140[0] : i32 from vector<1xi32>
      %slice3A_142 = vector.extract_strided_slice %get3A_137 {offsets = [0], sizes = [1], strides = [1]} : vector<16xi32> to vector<1xi32>
      %squeeze3A_143 = vector.extract %slice3A_142[0] : i32 from vector<1xi32>
      %slice3A_144 = vector.extract_strided_slice %get3A_137 {offsets = [1], sizes = [1], strides = [1]} : vector<16xi32> to vector<1xi32>
      %squeeze3A_145 = vector.extract %slice3A_144[0] : i32 from vector<1xi32>
      %get3A_146 = arith.index_cast %sub3A_118 : i32 to index
      %get3A_147 = tpu.vector_load %arg16[%get3A_146] {strides = array<i32>} : memref<8736xf32, #tpu.memory_space<vmem>>, vector<16xf32>,
      %slice3A_148 = vector.extract_strided_slice %get3A_147 {offsets = [0], sizes = [1], strides = [1]} : vector<16xf32> to vector<1xf32>
      %squeeze3A_149 = vector.extract %slice3A_148[0] : f32 from vector<1xf32>
      %get3A_150 = arith.index_cast %sub3A_118 : i32 to index
      %get3A_151 = tpu.vector_load %arg17[%get3A_150] {strides = array<i32>} : memref<8736xf32, #tpu.memory_space<vmem>>, vector<16xf32>,
      %slice3A_152 = vector.extract_strided_slice %get3A_151 {offsets = [0], sizes = [1], strides = [1]} : vector<16xf32> to vector<1xf32>
      %squeeze3A_153 = vector.extract %slice3A_152[0] : f32 from vector<1xf32>
      %get3A_154 = arith.index_cast %sub3A_118 : i32 to index
      %get3A_155 = tpu.vector_load %arg18[%get3A_154] {strides = array<i32>} : memref<8736xf32, #tpu.memory_space<vmem>>, vector<16xf32>,
      %slice3A_156 = vector.extract_strided_slice %get3A_155 {offsets = [0], sizes = [1], strides = [1]} : vector<16xf32> to vector<1xf32>
      %squeeze3A_157 = vector.extract %slice3A_156[0] : f32 from vector<1xf32>
      %get3A_158 = arith.index_cast %sub3A_118 : i32 to index
      %get3A_159 = tpu.vector_load %arg19[%get3A_158] {strides = array<i32>} : memref<8736xf32, #tpu.memory_space<vmem>>, vector<16xf32>,
      %slice3A_160 = vector.extract_strided_slice %get3A_159 {offsets = [0], sizes = [1], strides = [1]} : vector<16xf32> to vector<1xf32>
      %squeeze3A_161 = vector.extract %slice3A_160[0] : f32 from vector<1xf32>
      %get3A_162 = arith.index_cast %sub3A_119 : i32 to index
      %get3A_163 = tpu.vector_load %arg16[%get3A_162] {strides = array<i32>} : memref<8736xf32, #tpu.memory_space<vmem>>, vector<16xf32>,
      %slice3A_164 = vector.extract_strided_slice %get3A_163 {offsets = [0], sizes = [1], strides = [1]} : vector<16xf32> to vector<1xf32>
      %squeeze3A_165 = vector.extract %slice3A_164[0] : f32 from vector<1xf32>
      %get3A_166 = arith.index_cast %sub3A_119 : i32 to index
      %get3A_167 = tpu.vector_load %arg17[%get3A_166] {strides = array<i32>} : memref<8736xf32, #tpu.memory_space<vmem>>, vector<16xf32>,
      %slice3A_168 = vector.extract_strided_slice %get3A_167 {offsets = [0], sizes = [1], strides = [1]} : vector<16xf32> to vector<1xf32>
      %squeeze3A_169 = vector.extract %slice3A_168[0] : f32 from vector<1xf32>
      %get3A_170 = arith.index_cast %sub3A_119 : i32 to index
      %get3A_171 = tpu.vector_load %arg18[%get3A_170] {strides = array<i32>} : memref<8736xf32, #tpu.memory_space<vmem>>, vector<16xf32>,
      %slice3A_172 = vector.extract_strided_slice %get3A_171 {offsets = [0], sizes = [1], strides = [1]} : vector<16xf32> to vector<1xf32>
      %squeeze3A_173 = vector.extract %slice3A_172[0] : f32 from vector<1xf32>
      %get3A_174 = arith.index_cast %sub3A_119 : i32 to index
      %get3A_175 = tpu.vector_load %arg19[%get3A_174] {strides = array<i32>} : memref<8736xf32, #tpu.memory_space<vmem>>, vector<16xf32>,
      %slice3A_176 = vector.extract_strided_slice %get3A_175 {offsets = [0], sizes = [1], strides = [1]} : vector<16xf32> to vector<1xf32>
      %squeeze3A_177 = vector.extract %slice3A_176[0] : f32 from vector<1xf32>
      %sub3A_178 = arith.subi %squeeze3A_145, %squeeze3A_139 : i32
      %add3A_179 = arith.constant 32 : i32
      %add3A_180 = arith.addi %sub3A_178, %add3A_179 : i32
      %sub3A_181 = arith.constant 1 : i32
      %sub3A_182 = arith.subi %add3A_180, %sub3A_181 : i32
      %jit3A_183 = arith.constant 32 : i32
      %div3A_184 = arith.divsi %sub3A_182, %jit3A_183 : i32
      %sign3A_185 = arith.constant 0 : i32
      %sign3A_186 = arith.cmpi sgt, %sub3A_182, %sign3A_185 : i32
      %sign3A_187 = arith.extui %sign3A_186 : i1 to i32
      %sign3A_188 = arith.constant 0 : i32
      %sign3A_189 = arith.cmpi slt, %sub3A_182, %sign3A_188 : i32
      %sign3A_190 = arith.extui %sign3A_189 : i1 to i32
      %sign3A_191 = arith.subi %sign3A_187, %sign3A_190 : i32
      %sign3A_192 = arith.constant 0 : i32
      %sign3A_193 = arith.cmpi sgt, %jit3A_183, %sign3A_192 : i32
      %sign3A_194 = arith.extui %sign3A_193 : i1 to i32
      %sign3A_195 = arith.constant 0 : i32
      %sign3A_196 = arith.cmpi slt, %jit3A_183, %sign3A_195 : i32
      %sign3A_197 = arith.extui %sign3A_196 : i1 to i32
      %sign3A_198 = arith.subi %sign3A_194, %sign3A_197 : i32
      %ne3A_199 = arith.cmpi ne, %sign3A_191, %sign3A_198 : i32
      %rem3A_200 = arith.remsi %sub3A_182, %jit3A_183 : i32
      %ne3A_201 = arith.constant 0 : i32
      %ne3A_202 = arith.cmpi ne, %rem3A_200, %ne3A_201 : i32
      %and3A_203 = arith.andi %ne3A_199, %ne3A_202 : i1
      %sub3A_204 = arith.constant 1 : i32
      %sub3A_205 = arith.subi %div3A_184, %sub3A_204 : i32
      %select_n3A_206 = arith.select %and3A_203, %sub3A_205, %div3A_184 : i32
      %broadcast_in_dim3A = arith.constant 9.99999984E+17 : f32
      %broadcast_in_dim3A_207 = vector.broadcast %broadcast_in_dim3A : f32 to vector<16xf32>
      %broadcast_in_dim3A_208 = vector.broadcast %add3A_115 : i32 to vector<16xi32>
      %broadcast_in_dim3A_209 = arith.constant 9.99999984E+17 : f32
      %broadcast_in_dim3A_210 = vector.broadcast %broadcast_in_dim3A_209 : f32 to vector<16xf32>
      %broadcast_in_dim3A_211 = vector.broadcast %add3A_115 : i32 to vector<16xi32>
      %broadcast_in_dim3A_212 = arith.constant 9.99999984E+17 : f32
      %broadcast_in_dim3A_213 = vector.broadcast %broadcast_in_dim3A_212 : f32 to vector<16xf32>
      %broadcast_in_dim3A_214 = vector.broadcast %add3A_117 : i32 to vector<16xi32>
      %broadcast_in_dim3A_215 = arith.constant 9.99999984E+17 : f32
      %broadcast_in_dim3A_216 = vector.broadcast %broadcast_in_dim3A_215 : f32 to vector<16xf32>
      %broadcast_in_dim3A_217 = vector.broadcast %add3A_117 : i32 to vector<16xi32>
      %while3A_218 = arith.constant 0 : i32
      %while3A_219 = arith.subi %select_n3A_206, %while3A_218 : i32
      %while3A_220 = arith.addi %while3A_218, %while3A_219 : i32
      %while3A_221 = arith.constant 1 : i32
      %while3A_222 = arith.divsi %while3A_219, %while3A_221 : i32
      %while3A_223 = arith.muli %while3A_222, %while3A_221 : i32
      %while3A_224 = arith.addi %while3A_218, %while3A_223 : i32
      %while3A_225 = arith.constant 1 : i32
      %while3A_226:8 = scf.for %while3A_519 = %while3A_218 to %while3A_224 step %while3A_225 iter_args(%while3A_520 = %broadcast_in_dim3A_207, %while3A_521 = %broadcast_in_dim3A_208, %while3A_522 = %broadcast_in_dim3A_210, %while3A_523 = %broadcast_in_dim3A_211, %while3A_524 = %broadcast_in_dim3A_213, %while3A_525 = %broadcast_in_dim3A_214, %while3A_526 = %broadcast_in_dim3A_216, %while3A_527 = %broadcast_in_dim3A_217) -> (vector<16xf32>, vector<16xi32>, vector<16xf32>, vector<16xi32>, vector<16xf32>, vector<16xi32>, vector<16xf32>, vector<16xi32>)  : i32 {
        %mul3A_528 = arith.constant 32 : i32
        %mul3A_529 = arith.muli %while3A_519, %mul3A_528 : i32
        %add3A_530 = arith.addi %squeeze3A_139, %mul3A_529 : i32
        %sub3A_531 = arith.subi %add3A_530, %multiple_of3A : i32
        %add3A_532 = vector.broadcast %add3A_530 : i32 to vector<16xi32>
        %add3A_533 = arith.addi %add3A_532, %iota3A : vector<16xi32>
        %add3A_534 = arith.constant 16 : i32
        %add3A_535 = vector.broadcast %add3A_534 : i32 to vector<16xi32>
        %add3A_536 = arith.addi %add3A_533, %add3A_535 : vector<16xi32>
        %get3A_537 = arith.index_cast %sub3A_531 : i32 to index
        %get3A_538 = tpu.vector_load %arg16[%get3A_537] {strides = array<i32>} : memref<8736xf32, #tpu.memory_space<vmem>>, vector<16xf32>,
        %get3A_539 = arith.index_cast %sub3A_531 : i32 to index
        %get3A_540 = tpu.vector_load %arg17[%get3A_539] {strides = array<i32>} : memref<8736xf32, #tpu.memory_space<vmem>>, vector<16xf32>,
        %get3A_541 = arith.index_cast %sub3A_531 : i32 to index
        %get3A_542 = tpu.vector_load %arg18[%get3A_541] {strides = array<i32>} : memref<8736xf32, #tpu.memory_space<vmem>>, vector<16xf32>,
        %get3A_543 = arith.index_cast %sub3A_531 : i32 to index
        %get3A_544 = tpu.vector_load %arg19[%get3A_543] {strides = array<i32>} : memref<8736xf32, #tpu.memory_space<vmem>>, vector<16xf32>,
        %add3A_545 = arith.constant 16 : i32
        %add3A_546 = arith.addi %sub3A_531, %add3A_545 : i32
        %get3A_547 = arith.index_cast %add3A_546 : i32 to index
        %get3A_548 = tpu.vector_load %arg16[%get3A_547] {strides = array<i32>} : memref<8736xf32, #tpu.memory_space<vmem>>, vector<16xf32>,
        %add3A_549 = arith.constant 16 : i32
        %add3A_550 = arith.addi %sub3A_531, %add3A_549 : i32
        %get3A_551 = arith.index_cast %add3A_550 : i32 to index
        %get3A_552 = tpu.vector_load %arg17[%get3A_551] {strides = array<i32>} : memref<8736xf32, #tpu.memory_space<vmem>>, vector<16xf32>,
        %add3A_553 = arith.constant 16 : i32
        %add3A_554 = arith.addi %sub3A_531, %add3A_553 : i32
        %get3A_555 = arith.index_cast %add3A_554 : i32 to index
        %get3A_556 = tpu.vector_load %arg18[%get3A_555] {strides = array<i32>} : memref<8736xf32, #tpu.memory_space<vmem>>, vector<16xf32>,
        %add3A_557 = arith.constant 16 : i32
        %add3A_558 = arith.addi %sub3A_531, %add3A_557 : i32
        %get3A_559 = arith.index_cast %add3A_558 : i32 to index
        %get3A_560 = tpu.vector_load %arg19[%get3A_559] {strides = array<i32>} : memref<8736xf32, #tpu.memory_space<vmem>>, vector<16xf32>,
        %mul3A_561 = vector.broadcast %squeeze3A_149 : f32 to vector<16xf32>
        %mul3A_562 = arith.mulf %get3A_538, %mul3A_561 : vector<16xf32>
        %mul3A_563 = vector.broadcast %squeeze3A_153 : f32 to vector<16xf32>
        %mul3A_564 = arith.mulf %get3A_540, %mul3A_563 : vector<16xf32>
        %add3A_565 = arith.addf %mul3A_562, %mul3A_564 : vector<16xf32>
        %mul3A_566 = vector.broadcast %squeeze3A_157 : f32 to vector<16xf32>
        %mul3A_567 = arith.mulf %get3A_542, %mul3A_566 : vector<16xf32>
        %add3A_568 = arith.addf %add3A_565, %mul3A_567 : vector<16xf32>
        %add3A_569 = vector.broadcast %squeeze3A_161 : f32 to vector<16xf32>
        %add3A_570 = arith.addf %add3A_569, %get3A_544 : vector<16xf32>
        %mul3A_571 = arith.constant 2.000000e+00 : f32
        %mul3A_572 = vector.broadcast %mul3A_571 : f32 to vector<16xf32>
        %mul3A_573 = arith.mulf %mul3A_572, %add3A_568 : vector<16xf32>
        %sub3A_574 = arith.subf %add3A_570, %mul3A_573 : vector<16xf32>
        %max3A = arith.constant 0.000000e+00 : f32
        %max3A_575 = vector.broadcast %max3A : f32 to vector<16xf32>
        %max3A_576 = arith.maximumf %sub3A_574, %max3A_575 : vector<16xf32>
        %ge3A = vector.broadcast %squeeze3A_139 : i32 to vector<16xi32>
        %ge3A_577 = arith.cmpi sge, %add3A_533, %ge3A : vector<16xi32>
        %lt3A_578 = vector.broadcast %squeeze3A_141 : i32 to vector<16xi32>
        %lt3A_579 = arith.cmpi slt, %add3A_533, %lt3A_578 : vector<16xi32>
        %and3A_580 = arith.andi %ge3A_577, %lt3A_579 : vector<16xi1>
        %le3A = arith.constant 2.500000e+01 : f32
        %le3A_581 = vector.broadcast %le3A : f32 to vector<16xf32>
        %le3A_582 = arith.cmpf ole, %max3A_576, %le3A_581 : vector<16xf32>
        %and3A_583 = arith.andi %and3A_580, %le3A_582 : vector<16xi1>
        %mul3A_584 = vector.broadcast %squeeze3A_149 : f32 to vector<16xf32>
        %mul3A_585 = arith.mulf %get3A_548, %mul3A_584 : vector<16xf32>
        %mul3A_586 = vector.broadcast %squeeze3A_153 : f32 to vector<16xf32>
        %mul3A_587 = arith.mulf %get3A_552, %mul3A_586 : vector<16xf32>
        %add3A_588 = arith.addf %mul3A_585, %mul3A_587 : vector<16xf32>
        %mul3A_589 = vector.broadcast %squeeze3A_157 : f32 to vector<16xf32>
        %mul3A_590 = arith.mulf %get3A_556, %mul3A_589 : vector<16xf32>
        %add3A_591 = arith.addf %add3A_588, %mul3A_590 : vector<16xf32>
        %add3A_592 = vector.broadcast %squeeze3A_161 : f32 to vector<16xf32>
        %add3A_593 = arith.addf %add3A_592, %get3A_560 : vector<16xf32>
        %mul3A_594 = arith.constant 2.000000e+00 : f32
        %mul3A_595 = vector.broadcast %mul3A_594 : f32 to vector<16xf32>
        %mul3A_596 = arith.mulf %mul3A_595, %add3A_591 : vector<16xf32>
        %sub3A_597 = arith.subf %add3A_593, %mul3A_596 : vector<16xf32>
        %max3A_598 = arith.constant 0.000000e+00 : f32
        %max3A_599 = vector.broadcast %max3A_598 : f32 to vector<16xf32>
        %max3A_600 = arith.maximumf %sub3A_597, %max3A_599 : vector<16xf32>
        %ge3A_601 = vector.broadcast %squeeze3A_139 : i32 to vector<16xi32>
        %ge3A_602 = arith.cmpi sge, %add3A_536, %ge3A_601 : vector<16xi32>
        %lt3A_603 = vector.broadcast %squeeze3A_141 : i32 to vector<16xi32>
        %lt3A_604 = arith.cmpi slt, %add3A_536, %lt3A_603 : vector<16xi32>
        %and3A_605 = arith.andi %ge3A_602, %lt3A_604 : vector<16xi1>
        %le3A_606 = arith.constant 2.500000e+01 : f32
        %le3A_607 = vector.broadcast %le3A_606 : f32 to vector<16xf32>
        %le3A_608 = arith.cmpf ole, %max3A_600, %le3A_607 : vector<16xf32>
        %and3A_609 = arith.andi %and3A_605, %le3A_608 : vector<16xi1>
        %jit3A_610 = arith.constant 9.99999984E+17 : f32
        %broadcast_in_dim3A_611 = vector.broadcast %jit3A_610 : f32 to vector<16xf32>
        %select_n3A_612 = arith.select %and3A_583, %max3A_576, %broadcast_in_dim3A_611 : vector<16xi1>, vector<16xf32>
        %masked_sort3A = arith.constant dense<true> : vector<16xi1>
        %masked_sort3A_613, %masked_sort3A_614, %masked_sort3A_615 = tpu.sort %select_n3A_612, %add3A_533 masked %masked_sort3A : (vector<16xf32>, vector<16xi32>, vector<16xi1>) -> (vector<16xi1>, vector<16xf32>, vector<16xi32>)
        %jit3A_616 = arith.constant 9.99999984E+17 : f32
        %broadcast_in_dim3A_617 = vector.broadcast %jit3A_616 : f32 to vector<16xf32>
        %select_n3A_618 = arith.select %and3A_609, %max3A_600, %broadcast_in_dim3A_617 : vector<16xi1>, vector<16xf32>
        %masked_sort3A_619 = arith.constant dense<true> : vector<16xi1>
        %masked_sort3A_620, %masked_sort3A_621, %masked_sort3A_622 = tpu.sort %select_n3A_618, %add3A_536 masked %masked_sort3A_619 : (vector<16xf32>, vector<16xi32>, vector<16xi1>) -> (vector<16xi1>, vector<16xf32>, vector<16xi32>)
        %rev3A = arith.constant 15 : i32
        %rev3A_623 = vector.broadcast %rev3A : i32 to vector<16xi32>
        %rev3A_624 = tpu.iota {dimensions = array<i32: 0>} : vector<16xi32>
        %rev3A_625 = arith.subi %rev3A_623, %rev3A_624 : vector<16xi32>
        %rev3A_626 = tpu.dynamic_gather %masked_sort3A_621[%rev3A_625] in [0] : vector<16xf32>, vector<16xi32> -> vector<16xf32>
        %rev3A_627 = arith.constant 15 : i32
        %rev3A_628 = vector.broadcast %rev3A_627 : i32 to vector<16xi32>
        %rev3A_629 = tpu.iota {dimensions = array<i32: 0>} : vector<16xi32>
        %rev3A_630 = arith.subi %rev3A_628, %rev3A_629 : vector<16xi32>
        %rev3A_631 = tpu.dynamic_gather %masked_sort3A_622[%rev3A_630] in [0] : vector<16xi32>, vector<16xi32> -> vector<16xi32>
        %le3A_632 = arith.cmpf ole, %masked_sort3A_614, %rev3A_626 : vector<16xf32>
        %select_n3A_633 = arith.select %le3A_632, %masked_sort3A_614, %rev3A_626 : vector<16xi1>, vector<16xf32>
        %select_n3A_634 = arith.select %le3A_632, %masked_sort3A_615, %rev3A_631 : vector<16xi1>, vector<16xi32>
        %select_n3A_635 = arith.select %le3A_632, %rev3A_626, %masked_sort3A_614 : vector<16xi1>, vector<16xf32>
        %select_n3A_636 = arith.select %le3A_632, %rev3A_631, %masked_sort3A_615 : vector<16xi1>, vector<16xi32>
        %masked_sort3A_637 = arith.constant dense<true> : vector<16xi1>
        %masked_sort3A_638, %masked_sort3A_639, %masked_sort3A_640 = tpu.sort %select_n3A_633, %select_n3A_634 masked %masked_sort3A_637 : (vector<16xf32>, vector<16xi32>, vector<16xi1>) -> (vector<16xi1>, vector<16xf32>, vector<16xi32>)
        %masked_sort3A_641 = arith.constant dense<true> : vector<16xi1>
        %masked_sort3A_642, %masked_sort3A_643, %masked_sort3A_644 = tpu.sort %select_n3A_635, %select_n3A_636 masked %masked_sort3A_641 : (vector<16xf32>, vector<16xi32>, vector<16xi1>) -> (vector<16xi1>, vector<16xf32>, vector<16xi32>)
        %rev3A_645 = arith.constant 15 : i32
        %rev3A_646 = vector.broadcast %rev3A_645 : i32 to vector<16xi32>
        %rev3A_647 = tpu.iota {dimensions = array<i32: 0>} : vector<16xi32>
        %rev3A_648 = arith.subi %rev3A_646, %rev3A_647 : vector<16xi32>
        %rev3A_649 = tpu.dynamic_gather %masked_sort3A_643[%rev3A_648] in [0] : vector<16xf32>, vector<16xi32> -> vector<16xf32>
        %rev3A_650 = arith.constant 15 : i32
        %rev3A_651 = vector.broadcast %rev3A_650 : i32 to vector<16xi32>
        %rev3A_652 = tpu.iota {dimensions = array<i32: 0>} : vector<16xi32>
        %rev3A_653 = arith.subi %rev3A_651, %rev3A_652 : vector<16xi32>
        %rev3A_654 = tpu.dynamic_gather %masked_sort3A_644[%rev3A_653] in [0] : vector<16xi32>, vector<16xi32> -> vector<16xi32>
        %le3A_655 = arith.cmpf ole, %while3A_520, %rev3A_649 : vector<16xf32>
        %select_n3A_656 = arith.select %le3A_655, %while3A_520, %rev3A_649 : vector<16xi1>, vector<16xf32>
        %select_n3A_657 = arith.select %le3A_655, %while3A_521, %rev3A_654 : vector<16xi1>, vector<16xi32>
        %rev3A_658 = arith.constant 15 : i32
        %rev3A_659 = vector.broadcast %rev3A_658 : i32 to vector<16xi32>
        %rev3A_660 = tpu.iota {dimensions = array<i32: 0>} : vector<16xi32>
        %rev3A_661 = arith.subi %rev3A_659, %rev3A_660 : vector<16xi32>
        %rev3A_662 = tpu.dynamic_gather %masked_sort3A_639[%rev3A_661] in [0] : vector<16xf32>, vector<16xi32> -> vector<16xf32>
        %rev3A_663 = arith.constant 15 : i32
        %rev3A_664 = vector.broadcast %rev3A_663 : i32 to vector<16xi32>
        %rev3A_665 = tpu.iota {dimensions = array<i32: 0>} : vector<16xi32>
        %rev3A_666 = arith.subi %rev3A_664, %rev3A_665 : vector<16xi32>
        %rev3A_667 = tpu.dynamic_gather %masked_sort3A_640[%rev3A_666] in [0] : vector<16xi32>, vector<16xi32> -> vector<16xi32>
        %le3A_668 = arith.cmpf ole, %while3A_522, %rev3A_662 : vector<16xf32>
        %select_n3A_669 = arith.select %le3A_668, %while3A_522, %rev3A_662 : vector<16xi1>, vector<16xf32>
        %select_n3A_670 = arith.select %le3A_668, %while3A_523, %rev3A_667 : vector<16xi1>, vector<16xi32>
        %le3A_671 = arith.cmpf ole, %select_n3A_656, %select_n3A_669 : vector<16xf32>
        %select_n3A_672 = arith.select %le3A_671, %select_n3A_656, %select_n3A_669 : vector<16xi1>, vector<16xf32>
        %select_n3A_673 = arith.select %le3A_671, %select_n3A_657, %select_n3A_670 : vector<16xi1>, vector<16xi32>
        %select_n3A_674 = arith.select %le3A_671, %select_n3A_669, %select_n3A_656 : vector<16xi1>, vector<16xf32>
        %select_n3A_675 = arith.select %le3A_671, %select_n3A_670, %select_n3A_657 : vector<16xi1>, vector<16xi32>
        %masked_sort3A_676 = arith.constant dense<true> : vector<16xi1>
        %masked_sort3A_677, %masked_sort3A_678, %masked_sort3A_679 = tpu.sort %select_n3A_672, %select_n3A_673 masked %masked_sort3A_676 : (vector<16xf32>, vector<16xi32>, vector<16xi1>) -> (vector<16xi1>, vector<16xf32>, vector<16xi32>)
        %masked_sort3A_680 = arith.constant dense<true> : vector<16xi1>
        %masked_sort3A_681, %masked_sort3A_682, %masked_sort3A_683 = tpu.sort %select_n3A_674, %select_n3A_675 masked %masked_sort3A_680 : (vector<16xf32>, vector<16xi32>, vector<16xi1>) -> (vector<16xi1>, vector<16xf32>, vector<16xi32>)
        %mul3A_684 = vector.broadcast %squeeze3A_165 : f32 to vector<16xf32>
        %mul3A_685 = arith.mulf %get3A_538, %mul3A_684 : vector<16xf32>
        %mul3A_686 = vector.broadcast %squeeze3A_169 : f32 to vector<16xf32>
        %mul3A_687 = arith.mulf %get3A_540, %mul3A_686 : vector<16xf32>
        %add3A_688 = arith.addf %mul3A_685, %mul3A_687 : vector<16xf32>
        %mul3A_689 = vector.broadcast %squeeze3A_173 : f32 to vector<16xf32>
        %mul3A_690 = arith.mulf %get3A_542, %mul3A_689 : vector<16xf32>
        %add3A_691 = arith.addf %add3A_688, %mul3A_690 : vector<16xf32>
        %add3A_692 = vector.broadcast %squeeze3A_177 : f32 to vector<16xf32>
        %add3A_693 = arith.addf %add3A_692, %get3A_544 : vector<16xf32>
        %mul3A_694 = arith.constant 2.000000e+00 : f32
        %mul3A_695 = vector.broadcast %mul3A_694 : f32 to vector<16xf32>
        %mul3A_696 = arith.mulf %mul3A_695, %add3A_691 : vector<16xf32>
        %sub3A_697 = arith.subf %add3A_693, %mul3A_696 : vector<16xf32>
        %max3A_698 = arith.constant 0.000000e+00 : f32
        %max3A_699 = vector.broadcast %max3A_698 : f32 to vector<16xf32>
        %max3A_700 = arith.maximumf %sub3A_697, %max3A_699 : vector<16xf32>
        %ge3A_701 = vector.broadcast %squeeze3A_143 : i32 to vector<16xi32>
        %ge3A_702 = arith.cmpi sge, %add3A_533, %ge3A_701 : vector<16xi32>
        %lt3A_703 = vector.broadcast %squeeze3A_145 : i32 to vector<16xi32>
        %lt3A_704 = arith.cmpi slt, %add3A_533, %lt3A_703 : vector<16xi32>
        %and3A_705 = arith.andi %ge3A_702, %lt3A_704 : vector<16xi1>
        %le3A_706 = arith.constant 2.500000e+01 : f32
        %le3A_707 = vector.broadcast %le3A_706 : f32 to vector<16xf32>
        %le3A_708 = arith.cmpf ole, %max3A_700, %le3A_707 : vector<16xf32>
        %and3A_709 = arith.andi %and3A_705, %le3A_708 : vector<16xi1>
        %mul3A_710 = vector.broadcast %squeeze3A_165 : f32 to vector<16xf32>
        %mul3A_711 = arith.mulf %get3A_548, %mul3A_710 : vector<16xf32>
        %mul3A_712 = vector.broadcast %squeeze3A_169 : f32 to vector<16xf32>
        %mul3A_713 = arith.mulf %get3A_552, %mul3A_712 : vector<16xf32>
        %add3A_714 = arith.addf %mul3A_711, %mul3A_713 : vector<16xf32>
        %mul3A_715 = vector.broadcast %squeeze3A_173 : f32 to vector<16xf32>
        %mul3A_716 = arith.mulf %get3A_556, %mul3A_715 : vector<16xf32>
        %add3A_717 = arith.addf %add3A_714, %mul3A_716 : vector<16xf32>
        %add3A_718 = vector.broadcast %squeeze3A_177 : f32 to vector<16xf32>
        %add3A_719 = arith.addf %add3A_718, %get3A_560 : vector<16xf32>
        %mul3A_720 = arith.constant 2.000000e+00 : f32
        %mul3A_721 = vector.broadcast %mul3A_720 : f32 to vector<16xf32>
        %mul3A_722 = arith.mulf %mul3A_721, %add3A_717 : vector<16xf32>
        %sub3A_723 = arith.subf %add3A_719, %mul3A_722 : vector<16xf32>
        %max3A_724 = arith.constant 0.000000e+00 : f32
        %max3A_725 = vector.broadcast %max3A_724 : f32 to vector<16xf32>
        %max3A_726 = arith.maximumf %sub3A_723, %max3A_725 : vector<16xf32>
        %ge3A_727 = vector.broadcast %squeeze3A_143 : i32 to vector<16xi32>
        %ge3A_728 = arith.cmpi sge, %add3A_536, %ge3A_727 : vector<16xi32>
        %lt3A_729 = vector.broadcast %squeeze3A_145 : i32 to vector<16xi32>
        %lt3A_730 = arith.cmpi slt, %add3A_536, %lt3A_729 : vector<16xi32>
        %and3A_731 = arith.andi %ge3A_728, %lt3A_730 : vector<16xi1>
        %le3A_732 = arith.constant 2.500000e+01 : f32
        %le3A_733 = vector.broadcast %le3A_732 : f32 to vector<16xf32>
        %le3A_734 = arith.cmpf ole, %max3A_726, %le3A_733 : vector<16xf32>
        %and3A_735 = arith.andi %and3A_731, %le3A_734 : vector<16xi1>
        %jit3A_736 = arith.constant 9.99999984E+17 : f32
        %broadcast_in_dim3A_737 = vector.broadcast %jit3A_736 : f32 to vector<16xf32>
        %select_n3A_738 = arith.select %and3A_709, %max3A_700, %broadcast_in_dim3A_737 : vector<16xi1>, vector<16xf32>
        %masked_sort3A_739 = arith.constant dense<true> : vector<16xi1>
        %masked_sort3A_740, %masked_sort3A_741, %masked_sort3A_742 = tpu.sort %select_n3A_738, %add3A_533 masked %masked_sort3A_739 : (vector<16xf32>, vector<16xi32>, vector<16xi1>) -> (vector<16xi1>, vector<16xf32>, vector<16xi32>)
        %jit3A_743 = arith.constant 9.99999984E+17 : f32
        %broadcast_in_dim3A_744 = vector.broadcast %jit3A_743 : f32 to vector<16xf32>
        %select_n3A_745 = arith.select %and3A_735, %max3A_726, %broadcast_in_dim3A_744 : vector<16xi1>, vector<16xf32>
        %masked_sort3A_746 = arith.constant dense<true> : vector<16xi1>
        %masked_sort3A_747, %masked_sort3A_748, %masked_sort3A_749 = tpu.sort %select_n3A_745, %add3A_536 masked %masked_sort3A_746 : (vector<16xf32>, vector<16xi32>, vector<16xi1>) -> (vector<16xi1>, vector<16xf32>, vector<16xi32>)
        %rev3A_750 = arith.constant 15 : i32
        %rev3A_751 = vector.broadcast %rev3A_750 : i32 to vector<16xi32>
        %rev3A_752 = tpu.iota {dimensions = array<i32: 0>} : vector<16xi32>
        %rev3A_753 = arith.subi %rev3A_751, %rev3A_752 : vector<16xi32>
        %rev3A_754 = tpu.dynamic_gather %masked_sort3A_748[%rev3A_753] in [0] : vector<16xf32>, vector<16xi32> -> vector<16xf32>
        %rev3A_755 = arith.constant 15 : i32
        %rev3A_756 = vector.broadcast %rev3A_755 : i32 to vector<16xi32>
        %rev3A_757 = tpu.iota {dimensions = array<i32: 0>} : vector<16xi32>
        %rev3A_758 = arith.subi %rev3A_756, %rev3A_757 : vector<16xi32>
        %rev3A_759 = tpu.dynamic_gather %masked_sort3A_749[%rev3A_758] in [0] : vector<16xi32>, vector<16xi32> -> vector<16xi32>
        %le3A_760 = arith.cmpf ole, %masked_sort3A_741, %rev3A_754 : vector<16xf32>
        %select_n3A_761 = arith.select %le3A_760, %masked_sort3A_741, %rev3A_754 : vector<16xi1>, vector<16xf32>
        %select_n3A_762 = arith.select %le3A_760, %masked_sort3A_742, %rev3A_759 : vector<16xi1>, vector<16xi32>
        %select_n3A_763 = arith.select %le3A_760, %rev3A_754, %masked_sort3A_741 : vector<16xi1>, vector<16xf32>
        %select_n3A_764 = arith.select %le3A_760, %rev3A_759, %masked_sort3A_742 : vector<16xi1>, vector<16xi32>
        %masked_sort3A_765 = arith.constant dense<true> : vector<16xi1>
        %masked_sort3A_766, %masked_sort3A_767, %masked_sort3A_768 = tpu.sort %select_n3A_761, %select_n3A_762 masked %masked_sort3A_765 : (vector<16xf32>, vector<16xi32>, vector<16xi1>) -> (vector<16xi1>, vector<16xf32>, vector<16xi32>)
        %masked_sort3A_769 = arith.constant dense<true> : vector<16xi1>
        %masked_sort3A_770, %masked_sort3A_771, %masked_sort3A_772 = tpu.sort %select_n3A_763, %select_n3A_764 masked %masked_sort3A_769 : (vector<16xf32>, vector<16xi32>, vector<16xi1>) -> (vector<16xi1>, vector<16xf32>, vector<16xi32>)
        %rev3A_773 = arith.constant 15 : i32
        %rev3A_774 = vector.broadcast %rev3A_773 : i32 to vector<16xi32>
        %rev3A_775 = tpu.iota {dimensions = array<i32: 0>} : vector<16xi32>
        %rev3A_776 = arith.subi %rev3A_774, %rev3A_775 : vector<16xi32>
        %rev3A_777 = tpu.dynamic_gather %masked_sort3A_771[%rev3A_776] in [0] : vector<16xf32>, vector<16xi32> -> vector<16xf32>
        %rev3A_778 = arith.constant 15 : i32
        %rev3A_779 = vector.broadcast %rev3A_778 : i32 to vector<16xi32>
        %rev3A_780 = tpu.iota {dimensions = array<i32: 0>} : vector<16xi32>
        %rev3A_781 = arith.subi %rev3A_779, %rev3A_780 : vector<16xi32>
        %rev3A_782 = tpu.dynamic_gather %masked_sort3A_772[%rev3A_781] in [0] : vector<16xi32>, vector<16xi32> -> vector<16xi32>
        %le3A_783 = arith.cmpf ole, %while3A_524, %rev3A_777 : vector<16xf32>
        %select_n3A_784 = arith.select %le3A_783, %while3A_524, %rev3A_777 : vector<16xi1>, vector<16xf32>
        %select_n3A_785 = arith.select %le3A_783, %while3A_525, %rev3A_782 : vector<16xi1>, vector<16xi32>
        %rev3A_786 = arith.constant 15 : i32
        %rev3A_787 = vector.broadcast %rev3A_786 : i32 to vector<16xi32>
        %rev3A_788 = tpu.iota {dimensions = array<i32: 0>} : vector<16xi32>
        %rev3A_789 = arith.subi %rev3A_787, %rev3A_788 : vector<16xi32>
        %rev3A_790 = tpu.dynamic_gather %masked_sort3A_767[%rev3A_789] in [0] : vector<16xf32>, vector<16xi32> -> vector<16xf32>
        %rev3A_791 = arith.constant 15 : i32
        %rev3A_792 = vector.broadcast %rev3A_791 : i32 to vector<16xi32>
        %rev3A_793 = tpu.iota {dimensions = array<i32: 0>} : vector<16xi32>
        %rev3A_794 = arith.subi %rev3A_792, %rev3A_793 : vector<16xi32>
        %rev3A_795 = tpu.dynamic_gather %masked_sort3A_768[%rev3A_794] in [0] : vector<16xi32>, vector<16xi32> -> vector<16xi32>
        %le3A_796 = arith.cmpf ole, %while3A_526, %rev3A_790 : vector<16xf32>
        %select_n3A_797 = arith.select %le3A_796, %while3A_526, %rev3A_790 : vector<16xi1>, vector<16xf32>
        %select_n3A_798 = arith.select %le3A_796, %while3A_527, %rev3A_795 : vector<16xi1>, vector<16xi32>
        %le3A_799 = arith.cmpf ole, %select_n3A_784, %select_n3A_797 : vector<16xf32>
        %select_n3A_800 = arith.select %le3A_799, %select_n3A_784, %select_n3A_797 : vector<16xi1>, vector<16xf32>
        %select_n3A_801 = arith.select %le3A_799, %select_n3A_785, %select_n3A_798 : vector<16xi1>, vector<16xi32>
        %select_n3A_802 = arith.select %le3A_799, %select_n3A_797, %select_n3A_784 : vector<16xi1>, vector<16xf32>
        %select_n3A_803 = arith.select %le3A_799, %select_n3A_798, %select_n3A_785 : vector<16xi1>, vector<16xi32>
        %masked_sort3A_804 = arith.constant dense<true> : vector<16xi1>
        %masked_sort3A_805, %masked_sort3A_806, %masked_sort3A_807 = tpu.sort %select_n3A_800, %select_n3A_801 masked %masked_sort3A_804 : (vector<16xf32>, vector<16xi32>, vector<16xi1>) -> (vector<16xi1>, vector<16xf32>, vector<16xi32>)
        %masked_sort3A_808 = arith.constant dense<true> : vector<16xi1>
        %masked_sort3A_809, %masked_sort3A_810, %masked_sort3A_811 = tpu.sort %select_n3A_802, %select_n3A_803 masked %masked_sort3A_808 : (vector<16xf32>, vector<16xi32>, vector<16xi1>) -> (vector<16xi1>, vector<16xf32>, vector<16xi32>)
        scf.yield %masked_sort3A_678, %masked_sort3A_679, %masked_sort3A_682, %masked_sort3A_683, %masked_sort3A_806, %masked_sort3A_807, %masked_sort3A_810, %masked_sort3A_811 : vector<16xf32>, vector<16xi32>, vector<16xf32>, vector<16xi32>, vector<16xf32>, vector<16xi32>, vector<16xf32>, vector<16xi32>
      }
      %while3A_227 = arith.constant 1 : i32
      %while3A_228:8 = scf.for %while3A_519 = %while3A_224 to %while3A_220 step %while3A_227 iter_args(%while3A_520 = %while3A_226#0, %while3A_521 = %while3A_226#1, %while3A_522 = %while3A_226#2, %while3A_523 = %while3A_226#3, %while3A_524 = %while3A_226#4, %while3A_525 = %while3A_226#5, %while3A_526 = %while3A_226#6, %while3A_527 = %while3A_226#7) -> (vector<16xf32>, vector<16xi32>, vector<16xf32>, vector<16xi32>, vector<16xf32>, vector<16xi32>, vector<16xf32>, vector<16xi32>)  : i32 {
        %mul3A_528 = arith.constant 32 : i32
        %mul3A_529 = arith.muli %while3A_519, %mul3A_528 : i32
        %add3A_530 = arith.addi %squeeze3A_139, %mul3A_529 : i32
        %sub3A_531 = arith.subi %add3A_530, %multiple_of3A : i32
        %add3A_532 = vector.broadcast %add3A_530 : i32 to vector<16xi32>
        %add3A_533 = arith.addi %add3A_532, %iota3A : vector<16xi32>
        %add3A_534 = arith.constant 16 : i32
        %add3A_535 = vector.broadcast %add3A_534 : i32 to vector<16xi32>
        %add3A_536 = arith.addi %add3A_533, %add3A_535 : vector<16xi32>
        %get3A_537 = arith.index_cast %sub3A_531 : i32 to index
        %get3A_538 = tpu.vector_load %arg16[%get3A_537] {strides = array<i32>} : memref<8736xf32, #tpu.memory_space<vmem>>, vector<16xf32>,
        %get3A_539 = arith.index_cast %sub3A_531 : i32 to index
        %get3A_540 = tpu.vector_load %arg17[%get3A_539] {strides = array<i32>} : memref<8736xf32, #tpu.memory_space<vmem>>, vector<16xf32>,
        %get3A_541 = arith.index_cast %sub3A_531 : i32 to index
        %get3A_542 = tpu.vector_load %arg18[%get3A_541] {strides = array<i32>} : memref<8736xf32, #tpu.memory_space<vmem>>, vector<16xf32>,
        %get3A_543 = arith.index_cast %sub3A_531 : i32 to index
        %get3A_544 = tpu.vector_load %arg19[%get3A_543] {strides = array<i32>} : memref<8736xf32, #tpu.memory_space<vmem>>, vector<16xf32>,
        %add3A_545 = arith.constant 16 : i32
        %add3A_546 = arith.addi %sub3A_531, %add3A_545 : i32
        %get3A_547 = arith.index_cast %add3A_546 : i32 to index
        %get3A_548 = tpu.vector_load %arg16[%get3A_547] {strides = array<i32>} : memref<8736xf32, #tpu.memory_space<vmem>>, vector<16xf32>,
        %add3A_549 = arith.constant 16 : i32
        %add3A_550 = arith.addi %sub3A_531, %add3A_549 : i32
        %get3A_551 = arith.index_cast %add3A_550 : i32 to index
        %get3A_552 = tpu.vector_load %arg17[%get3A_551] {strides = array<i32>} : memref<8736xf32, #tpu.memory_space<vmem>>, vector<16xf32>,
        %add3A_553 = arith.constant 16 : i32
        %add3A_554 = arith.addi %sub3A_531, %add3A_553 : i32
        %get3A_555 = arith.index_cast %add3A_554 : i32 to index
        %get3A_556 = tpu.vector_load %arg18[%get3A_555] {strides = array<i32>} : memref<8736xf32, #tpu.memory_space<vmem>>, vector<16xf32>,
        %add3A_557 = arith.constant 16 : i32
        %add3A_558 = arith.addi %sub3A_531, %add3A_557 : i32
        %get3A_559 = arith.index_cast %add3A_558 : i32 to index
        %get3A_560 = tpu.vector_load %arg19[%get3A_559] {strides = array<i32>} : memref<8736xf32, #tpu.memory_space<vmem>>, vector<16xf32>,
        %mul3A_561 = vector.broadcast %squeeze3A_149 : f32 to vector<16xf32>
        %mul3A_562 = arith.mulf %get3A_538, %mul3A_561 : vector<16xf32>
        %mul3A_563 = vector.broadcast %squeeze3A_153 : f32 to vector<16xf32>
        %mul3A_564 = arith.mulf %get3A_540, %mul3A_563 : vector<16xf32>
        %add3A_565 = arith.addf %mul3A_562, %mul3A_564 : vector<16xf32>
        %mul3A_566 = vector.broadcast %squeeze3A_157 : f32 to vector<16xf32>
        %mul3A_567 = arith.mulf %get3A_542, %mul3A_566 : vector<16xf32>
        %add3A_568 = arith.addf %add3A_565, %mul3A_567 : vector<16xf32>
        %add3A_569 = vector.broadcast %squeeze3A_161 : f32 to vector<16xf32>
        %add3A_570 = arith.addf %add3A_569, %get3A_544 : vector<16xf32>
        %mul3A_571 = arith.constant 2.000000e+00 : f32
        %mul3A_572 = vector.broadcast %mul3A_571 : f32 to vector<16xf32>
        %mul3A_573 = arith.mulf %mul3A_572, %add3A_568 : vector<16xf32>
        %sub3A_574 = arith.subf %add3A_570, %mul3A_573 : vector<16xf32>
        %max3A = arith.constant 0.000000e+00 : f32
        %max3A_575 = vector.broadcast %max3A : f32 to vector<16xf32>
        %max3A_576 = arith.maximumf %sub3A_574, %max3A_575 : vector<16xf32>
        %ge3A = vector.broadcast %squeeze3A_139 : i32 to vector<16xi32>
        %ge3A_577 = arith.cmpi sge, %add3A_533, %ge3A : vector<16xi32>
        %lt3A_578 = vector.broadcast %squeeze3A_141 : i32 to vector<16xi32>
        %lt3A_579 = arith.cmpi slt, %add3A_533, %lt3A_578 : vector<16xi32>
        %and3A_580 = arith.andi %ge3A_577, %lt3A_579 : vector<16xi1>
        %le3A = arith.constant 2.500000e+01 : f32
        %le3A_581 = vector.broadcast %le3A : f32 to vector<16xf32>
        %le3A_582 = arith.cmpf ole, %max3A_576, %le3A_581 : vector<16xf32>
        %and3A_583 = arith.andi %and3A_580, %le3A_582 : vector<16xi1>
        %mul3A_584 = vector.broadcast %squeeze3A_149 : f32 to vector<16xf32>
        %mul3A_585 = arith.mulf %get3A_548, %mul3A_584 : vector<16xf32>
        %mul3A_586 = vector.broadcast %squeeze3A_153 : f32 to vector<16xf32>
        %mul3A_587 = arith.mulf %get3A_552, %mul3A_586 : vector<16xf32>
        %add3A_588 = arith.addf %mul3A_585, %mul3A_587 : vector<16xf32>
        %mul3A_589 = vector.broadcast %squeeze3A_157 : f32 to vector<16xf32>
        %mul3A_590 = arith.mulf %get3A_556, %mul3A_589 : vector<16xf32>
        %add3A_591 = arith.addf %add3A_588, %mul3A_590 : vector<16xf32>
        %add3A_592 = vector.broadcast %squeeze3A_161 : f32 to vector<16xf32>
        %add3A_593 = arith.addf %add3A_592, %get3A_560 : vector<16xf32>
        %mul3A_594 = arith.constant 2.000000e+00 : f32
        %mul3A_595 = vector.broadcast %mul3A_594 : f32 to vector<16xf32>
        %mul3A_596 = arith.mulf %mul3A_595, %add3A_591 : vector<16xf32>
        %sub3A_597 = arith.subf %add3A_593, %mul3A_596 : vector<16xf32>
        %max3A_598 = arith.constant 0.000000e+00 : f32
        %max3A_599 = vector.broadcast %max3A_598 : f32 to vector<16xf32>
        %max3A_600 = arith.maximumf %sub3A_597, %max3A_599 : vector<16xf32>
        %ge3A_601 = vector.broadcast %squeeze3A_139 : i32 to vector<16xi32>
        %ge3A_602 = arith.cmpi sge, %add3A_536, %ge3A_601 : vector<16xi32>
        %lt3A_603 = vector.broadcast %squeeze3A_141 : i32 to vector<16xi32>
        %lt3A_604 = arith.cmpi slt, %add3A_536, %lt3A_603 : vector<16xi32>
        %and3A_605 = arith.andi %ge3A_602, %lt3A_604 : vector<16xi1>
        %le3A_606 = arith.constant 2.500000e+01 : f32
        %le3A_607 = vector.broadcast %le3A_606 : f32 to vector<16xf32>
        %le3A_608 = arith.cmpf ole, %max3A_600, %le3A_607 : vector<16xf32>
        %and3A_609 = arith.andi %and3A_605, %le3A_608 : vector<16xi1>
        %jit3A_610 = arith.constant 9.99999984E+17 : f32
        %broadcast_in_dim3A_611 = vector.broadcast %jit3A_610 : f32 to vector<16xf32>
        %select_n3A_612 = arith.select %and3A_583, %max3A_576, %broadcast_in_dim3A_611 : vector<16xi1>, vector<16xf32>
        %masked_sort3A = arith.constant dense<true> : vector<16xi1>
        %masked_sort3A_613, %masked_sort3A_614, %masked_sort3A_615 = tpu.sort %select_n3A_612, %add3A_533 masked %masked_sort3A : (vector<16xf32>, vector<16xi32>, vector<16xi1>) -> (vector<16xi1>, vector<16xf32>, vector<16xi32>)
        %jit3A_616 = arith.constant 9.99999984E+17 : f32
        %broadcast_in_dim3A_617 = vector.broadcast %jit3A_616 : f32 to vector<16xf32>
        %select_n3A_618 = arith.select %and3A_609, %max3A_600, %broadcast_in_dim3A_617 : vector<16xi1>, vector<16xf32>
        %masked_sort3A_619 = arith.constant dense<true> : vector<16xi1>
        %masked_sort3A_620, %masked_sort3A_621, %masked_sort3A_622 = tpu.sort %select_n3A_618, %add3A_536 masked %masked_sort3A_619 : (vector<16xf32>, vector<16xi32>, vector<16xi1>) -> (vector<16xi1>, vector<16xf32>, vector<16xi32>)
        %rev3A = arith.constant 15 : i32
        %rev3A_623 = vector.broadcast %rev3A : i32 to vector<16xi32>
        %rev3A_624 = tpu.iota {dimensions = array<i32: 0>} : vector<16xi32>
        %rev3A_625 = arith.subi %rev3A_623, %rev3A_624 : vector<16xi32>
        %rev3A_626 = tpu.dynamic_gather %masked_sort3A_621[%rev3A_625] in [0] : vector<16xf32>, vector<16xi32> -> vector<16xf32>
        %rev3A_627 = arith.constant 15 : i32
        %rev3A_628 = vector.broadcast %rev3A_627 : i32 to vector<16xi32>
        %rev3A_629 = tpu.iota {dimensions = array<i32: 0>} : vector<16xi32>
        %rev3A_630 = arith.subi %rev3A_628, %rev3A_629 : vector<16xi32>
        %rev3A_631 = tpu.dynamic_gather %masked_sort3A_622[%rev3A_630] in [0] : vector<16xi32>, vector<16xi32> -> vector<16xi32>
        %le3A_632 = arith.cmpf ole, %masked_sort3A_614, %rev3A_626 : vector<16xf32>
        %select_n3A_633 = arith.select %le3A_632, %masked_sort3A_614, %rev3A_626 : vector<16xi1>, vector<16xf32>
        %select_n3A_634 = arith.select %le3A_632, %masked_sort3A_615, %rev3A_631 : vector<16xi1>, vector<16xi32>
        %select_n3A_635 = arith.select %le3A_632, %rev3A_626, %masked_sort3A_614 : vector<16xi1>, vector<16xf32>
        %select_n3A_636 = arith.select %le3A_632, %rev3A_631, %masked_sort3A_615 : vector<16xi1>, vector<16xi32>
        %masked_sort3A_637 = arith.constant dense<true> : vector<16xi1>
        %masked_sort3A_638, %masked_sort3A_639, %masked_sort3A_640 = tpu.sort %select_n3A_633, %select_n3A_634 masked %masked_sort3A_637 : (vector<16xf32>, vector<16xi32>, vector<16xi1>) -> (vector<16xi1>, vector<16xf32>, vector<16xi32>)
        %masked_sort3A_641 = arith.constant dense<true> : vector<16xi1>
        %masked_sort3A_642, %masked_sort3A_643, %masked_sort3A_644 = tpu.sort %select_n3A_635, %select_n3A_636 masked %masked_sort3A_641 : (vector<16xf32>, vector<16xi32>, vector<16xi1>) -> (vector<16xi1>, vector<16xf32>, vector<16xi32>)
        %rev3A_645 = arith.constant 15 : i32
        %rev3A_646 = vector.broadcast %rev3A_645 : i32 to vector<16xi32>
        %rev3A_647 = tpu.iota {dimensions = array<i32: 0>} : vector<16xi32>
        %rev3A_648 = arith.subi %rev3A_646, %rev3A_647 : vector<16xi32>
        %rev3A_649 = tpu.dynamic_gather %masked_sort3A_643[%rev3A_648] in [0] : vector<16xf32>, vector<16xi32> -> vector<16xf32>
        %rev3A_650 = arith.constant 15 : i32
        %rev3A_651 = vector.broadcast %rev3A_650 : i32 to vector<16xi32>
        %rev3A_652 = tpu.iota {dimensions = array<i32: 0>} : vector<16xi32>
        %rev3A_653 = arith.subi %rev3A_651, %rev3A_652 : vector<16xi32>
        %rev3A_654 = tpu.dynamic_gather %masked_sort3A_644[%rev3A_653] in [0] : vector<16xi32>, vector<16xi32> -> vector<16xi32>
        %le3A_655 = arith.cmpf ole, %while3A_520, %rev3A_649 : vector<16xf32>
        %select_n3A_656 = arith.select %le3A_655, %while3A_520, %rev3A_649 : vector<16xi1>, vector<16xf32>
        %select_n3A_657 = arith.select %le3A_655, %while3A_521, %rev3A_654 : vector<16xi1>, vector<16xi32>
        %rev3A_658 = arith.constant 15 : i32
        %rev3A_659 = vector.broadcast %rev3A_658 : i32 to vector<16xi32>
        %rev3A_660 = tpu.iota {dimensions = array<i32: 0>} : vector<16xi32>
        %rev3A_661 = arith.subi %rev3A_659, %rev3A_660 : vector<16xi32>
        %rev3A_662 = tpu.dynamic_gather %masked_sort3A_639[%rev3A_661] in [0] : vector<16xf32>, vector<16xi32> -> vector<16xf32>
        %rev3A_663 = arith.constant 15 : i32
        %rev3A_664 = vector.broadcast %rev3A_663 : i32 to vector<16xi32>
        %rev3A_665 = tpu.iota {dimensions = array<i32: 0>} : vector<16xi32>
        %rev3A_666 = arith.subi %rev3A_664, %rev3A_665 : vector<16xi32>
        %rev3A_667 = tpu.dynamic_gather %masked_sort3A_640[%rev3A_666] in [0] : vector<16xi32>, vector<16xi32> -> vector<16xi32>
        %le3A_668 = arith.cmpf ole, %while3A_522, %rev3A_662 : vector<16xf32>
        %select_n3A_669 = arith.select %le3A_668, %while3A_522, %rev3A_662 : vector<16xi1>, vector<16xf32>
        %select_n3A_670 = arith.select %le3A_668, %while3A_523, %rev3A_667 : vector<16xi1>, vector<16xi32>
        %le3A_671 = arith.cmpf ole, %select_n3A_656, %select_n3A_669 : vector<16xf32>
        %select_n3A_672 = arith.select %le3A_671, %select_n3A_656, %select_n3A_669 : vector<16xi1>, vector<16xf32>
        %select_n3A_673 = arith.select %le3A_671, %select_n3A_657, %select_n3A_670 : vector<16xi1>, vector<16xi32>
        %select_n3A_674 = arith.select %le3A_671, %select_n3A_669, %select_n3A_656 : vector<16xi1>, vector<16xf32>
        %select_n3A_675 = arith.select %le3A_671, %select_n3A_670, %select_n3A_657 : vector<16xi1>, vector<16xi32>
        %masked_sort3A_676 = arith.constant dense<true> : vector<16xi1>
        %masked_sort3A_677, %masked_sort3A_678, %masked_sort3A_679 = tpu.sort %select_n3A_672, %select_n3A_673 masked %masked_sort3A_676 : (vector<16xf32>, vector<16xi32>, vector<16xi1>) -> (vector<16xi1>, vector<16xf32>, vector<16xi32>)
        %masked_sort3A_680 = arith.constant dense<true> : vector<16xi1>
        %masked_sort3A_681, %masked_sort3A_682, %masked_sort3A_683 = tpu.sort %select_n3A_674, %select_n3A_675 masked %masked_sort3A_680 : (vector<16xf32>, vector<16xi32>, vector<16xi1>) -> (vector<16xi1>, vector<16xf32>, vector<16xi32>)
        %mul3A_684 = vector.broadcast %squeeze3A_165 : f32 to vector<16xf32>
        %mul3A_685 = arith.mulf %get3A_538, %mul3A_684 : vector<16xf32>
        %mul3A_686 = vector.broadcast %squeeze3A_169 : f32 to vector<16xf32>
        %mul3A_687 = arith.mulf %get3A_540, %mul3A_686 : vector<16xf32>
        %add3A_688 = arith.addf %mul3A_685, %mul3A_687 : vector<16xf32>
        %mul3A_689 = vector.broadcast %squeeze3A_173 : f32 to vector<16xf32>
        %mul3A_690 = arith.mulf %get3A_542, %mul3A_689 : vector<16xf32>
        %add3A_691 = arith.addf %add3A_688, %mul3A_690 : vector<16xf32>
        %add3A_692 = vector.broadcast %squeeze3A_177 : f32 to vector<16xf32>
        %add3A_693 = arith.addf %add3A_692, %get3A_544 : vector<16xf32>
        %mul3A_694 = arith.constant 2.000000e+00 : f32
        %mul3A_695 = vector.broadcast %mul3A_694 : f32 to vector<16xf32>
        %mul3A_696 = arith.mulf %mul3A_695, %add3A_691 : vector<16xf32>
        %sub3A_697 = arith.subf %add3A_693, %mul3A_696 : vector<16xf32>
        %max3A_698 = arith.constant 0.000000e+00 : f32
        %max3A_699 = vector.broadcast %max3A_698 : f32 to vector<16xf32>
        %max3A_700 = arith.maximumf %sub3A_697, %max3A_699 : vector<16xf32>
        %ge3A_701 = vector.broadcast %squeeze3A_143 : i32 to vector<16xi32>
        %ge3A_702 = arith.cmpi sge, %add3A_533, %ge3A_701 : vector<16xi32>
        %lt3A_703 = vector.broadcast %squeeze3A_145 : i32 to vector<16xi32>
        %lt3A_704 = arith.cmpi slt, %add3A_533, %lt3A_703 : vector<16xi32>
        %and3A_705 = arith.andi %ge3A_702, %lt3A_704 : vector<16xi1>
        %le3A_706 = arith.constant 2.500000e+01 : f32
        %le3A_707 = vector.broadcast %le3A_706 : f32 to vector<16xf32>
        %le3A_708 = arith.cmpf ole, %max3A_700, %le3A_707 : vector<16xf32>
        %and3A_709 = arith.andi %and3A_705, %le3A_708 : vector<16xi1>
        %mul3A_710 = vector.broadcast %squeeze3A_165 : f32 to vector<16xf32>
        %mul3A_711 = arith.mulf %get3A_548, %mul3A_710 : vector<16xf32>
        %mul3A_712 = vector.broadcast %squeeze3A_169 : f32 to vector<16xf32>
        %mul3A_713 = arith.mulf %get3A_552, %mul3A_712 : vector<16xf32>
        %add3A_714 = arith.addf %mul3A_711, %mul3A_713 : vector<16xf32>
        %mul3A_715 = vector.broadcast %squeeze3A_173 : f32 to vector<16xf32>
        %mul3A_716 = arith.mulf %get3A_556, %mul3A_715 : vector<16xf32>
        %add3A_717 = arith.addf %add3A_714, %mul3A_716 : vector<16xf32>
        %add3A_718 = vector.broadcast %squeeze3A_177 : f32 to vector<16xf32>
        %add3A_719 = arith.addf %add3A_718, %get3A_560 : vector<16xf32>
        %mul3A_720 = arith.constant 2.000000e+00 : f32
        %mul3A_721 = vector.broadcast %mul3A_720 : f32 to vector<16xf32>
        %mul3A_722 = arith.mulf %mul3A_721, %add3A_717 : vector<16xf32>
        %sub3A_723 = arith.subf %add3A_719, %mul3A_722 : vector<16xf32>
        %max3A_724 = arith.constant 0.000000e+00 : f32
        %max3A_725 = vector.broadcast %max3A_724 : f32 to vector<16xf32>
        %max3A_726 = arith.maximumf %sub3A_723, %max3A_725 : vector<16xf32>
        %ge3A_727 = vector.broadcast %squeeze3A_143 : i32 to vector<16xi32>
        %ge3A_728 = arith.cmpi sge, %add3A_536, %ge3A_727 : vector<16xi32>
        %lt3A_729 = vector.broadcast %squeeze3A_145 : i32 to vector<16xi32>
        %lt3A_730 = arith.cmpi slt, %add3A_536, %lt3A_729 : vector<16xi32>
        %and3A_731 = arith.andi %ge3A_728, %lt3A_730 : vector<16xi1>
        %le3A_732 = arith.constant 2.500000e+01 : f32
        %le3A_733 = vector.broadcast %le3A_732 : f32 to vector<16xf32>
        %le3A_734 = arith.cmpf ole, %max3A_726, %le3A_733 : vector<16xf32>
        %and3A_735 = arith.andi %and3A_731, %le3A_734 : vector<16xi1>
        %jit3A_736 = arith.constant 9.99999984E+17 : f32
        %broadcast_in_dim3A_737 = vector.broadcast %jit3A_736 : f32 to vector<16xf32>
        %select_n3A_738 = arith.select %and3A_709, %max3A_700, %broadcast_in_dim3A_737 : vector<16xi1>, vector<16xf32>
        %masked_sort3A_739 = arith.constant dense<true> : vector<16xi1>
        %masked_sort3A_740, %masked_sort3A_741, %masked_sort3A_742 = tpu.sort %select_n3A_738, %add3A_533 masked %masked_sort3A_739 : (vector<16xf32>, vector<16xi32>, vector<16xi1>) -> (vector<16xi1>, vector<16xf32>, vector<16xi32>)
        %jit3A_743 = arith.constant 9.99999984E+17 : f32
        %broadcast_in_dim3A_744 = vector.broadcast %jit3A_743 : f32 to vector<16xf32>
        %select_n3A_745 = arith.select %and3A_735, %max3A_726, %broadcast_in_dim3A_744 : vector<16xi1>, vector<16xf32>
        %masked_sort3A_746 = arith.constant dense<true> : vector<16xi1>
        %masked_sort3A_747, %masked_sort3A_748, %masked_sort3A_749 = tpu.sort %select_n3A_745, %add3A_536 masked %masked_sort3A_746 : (vector<16xf32>, vector<16xi32>, vector<16xi1>) -> (vector<16xi1>, vector<16xf32>, vector<16xi32>)
        %rev3A_750 = arith.constant 15 : i32
        %rev3A_751 = vector.broadcast %rev3A_750 : i32 to vector<16xi32>
        %rev3A_752 = tpu.iota {dimensions = array<i32: 0>} : vector<16xi32>
        %rev3A_753 = arith.subi %rev3A_751, %rev3A_752 : vector<16xi32>
        %rev3A_754 = tpu.dynamic_gather %masked_sort3A_748[%rev3A_753] in [0] : vector<16xf32>, vector<16xi32> -> vector<16xf32>
        %rev3A_755 = arith.constant 15 : i32
        %rev3A_756 = vector.broadcast %rev3A_755 : i32 to vector<16xi32>
        %rev3A_757 = tpu.iota {dimensions = array<i32: 0>} : vector<16xi32>
        %rev3A_758 = arith.subi %rev3A_756, %rev3A_757 : vector<16xi32>
        %rev3A_759 = tpu.dynamic_gather %masked_sort3A_749[%rev3A_758] in [0] : vector<16xi32>, vector<16xi32> -> vector<16xi32>
        %le3A_760 = arith.cmpf ole, %masked_sort3A_741, %rev3A_754 : vector<16xf32>
        %select_n3A_761 = arith.select %le3A_760, %masked_sort3A_741, %rev3A_754 : vector<16xi1>, vector<16xf32>
        %select_n3A_762 = arith.select %le3A_760, %masked_sort3A_742, %rev3A_759 : vector<16xi1>, vector<16xi32>
        %select_n3A_763 = arith.select %le3A_760, %rev3A_754, %masked_sort3A_741 : vector<16xi1>, vector<16xf32>
        %select_n3A_764 = arith.select %le3A_760, %rev3A_759, %masked_sort3A_742 : vector<16xi1>, vector<16xi32>
        %masked_sort3A_765 = arith.constant dense<true> : vector<16xi1>
        %masked_sort3A_766, %masked_sort3A_767, %masked_sort3A_768 = tpu.sort %select_n3A_761, %select_n3A_762 masked %masked_sort3A_765 : (vector<16xf32>, vector<16xi32>, vector<16xi1>) -> (vector<16xi1>, vector<16xf32>, vector<16xi32>)
        %masked_sort3A_769 = arith.constant dense<true> : vector<16xi1>
        %masked_sort3A_770, %masked_sort3A_771, %masked_sort3A_772 = tpu.sort %select_n3A_763, %select_n3A_764 masked %masked_sort3A_769 : (vector<16xf32>, vector<16xi32>, vector<16xi1>) -> (vector<16xi1>, vector<16xf32>, vector<16xi32>)
        %rev3A_773 = arith.constant 15 : i32
        %rev3A_774 = vector.broadcast %rev3A_773 : i32 to vector<16xi32>
        %rev3A_775 = tpu.iota {dimensions = array<i32: 0>} : vector<16xi32>
        %rev3A_776 = arith.subi %rev3A_774, %rev3A_775 : vector<16xi32>
        %rev3A_777 = tpu.dynamic_gather %masked_sort3A_771[%rev3A_776] in [0] : vector<16xf32>, vector<16xi32> -> vector<16xf32>
        %rev3A_778 = arith.constant 15 : i32
        %rev3A_779 = vector.broadcast %rev3A_778 : i32 to vector<16xi32>
        %rev3A_780 = tpu.iota {dimensions = array<i32: 0>} : vector<16xi32>
        %rev3A_781 = arith.subi %rev3A_779, %rev3A_780 : vector<16xi32>
        %rev3A_782 = tpu.dynamic_gather %masked_sort3A_772[%rev3A_781] in [0] : vector<16xi32>, vector<16xi32> -> vector<16xi32>
        %le3A_783 = arith.cmpf ole, %while3A_524, %rev3A_777 : vector<16xf32>
        %select_n3A_784 = arith.select %le3A_783, %while3A_524, %rev3A_777 : vector<16xi1>, vector<16xf32>
        %select_n3A_785 = arith.select %le3A_783, %while3A_525, %rev3A_782 : vector<16xi1>, vector<16xi32>
        %rev3A_786 = arith.constant 15 : i32
        %rev3A_787 = vector.broadcast %rev3A_786 : i32 to vector<16xi32>
        %rev3A_788 = tpu.iota {dimensions = array<i32: 0>} : vector<16xi32>
        %rev3A_789 = arith.subi %rev3A_787, %rev3A_788 : vector<16xi32>
        %rev3A_790 = tpu.dynamic_gather %masked_sort3A_767[%rev3A_789] in [0] : vector<16xf32>, vector<16xi32> -> vector<16xf32>
        %rev3A_791 = arith.constant 15 : i32
        %rev3A_792 = vector.broadcast %rev3A_791 : i32 to vector<16xi32>
        %rev3A_793 = tpu.iota {dimensions = array<i32: 0>} : vector<16xi32>
        %rev3A_794 = arith.subi %rev3A_792, %rev3A_793 : vector<16xi32>
        %rev3A_795 = tpu.dynamic_gather %masked_sort3A_768[%rev3A_794] in [0] : vector<16xi32>, vector<16xi32> -> vector<16xi32>
        %le3A_796 = arith.cmpf ole, %while3A_526, %rev3A_790 : vector<16xf32>
        %select_n3A_797 = arith.select %le3A_796, %while3A_526, %rev3A_790 : vector<16xi1>, vector<16xf32>
        %select_n3A_798 = arith.select %le3A_796, %while3A_527, %rev3A_795 : vector<16xi1>, vector<16xi32>
        %le3A_799 = arith.cmpf ole, %select_n3A_784, %select_n3A_797 : vector<16xf32>
        %select_n3A_800 = arith.select %le3A_799, %select_n3A_784, %select_n3A_797 : vector<16xi1>, vector<16xf32>
        %select_n3A_801 = arith.select %le3A_799, %select_n3A_785, %select_n3A_798 : vector<16xi1>, vector<16xi32>
        %select_n3A_802 = arith.select %le3A_799, %select_n3A_797, %select_n3A_784 : vector<16xi1>, vector<16xf32>
        %select_n3A_803 = arith.select %le3A_799, %select_n3A_798, %select_n3A_785 : vector<16xi1>, vector<16xi32>
        %masked_sort3A_804 = arith.constant dense<true> : vector<16xi1>
        %masked_sort3A_805, %masked_sort3A_806, %masked_sort3A_807 = tpu.sort %select_n3A_800, %select_n3A_801 masked %masked_sort3A_804 : (vector<16xf32>, vector<16xi32>, vector<16xi1>) -> (vector<16xi1>, vector<16xf32>, vector<16xi32>)
        %masked_sort3A_808 = arith.constant dense<true> : vector<16xi1>
        %masked_sort3A_809, %masked_sort3A_810, %masked_sort3A_811 = tpu.sort %select_n3A_802, %select_n3A_803 masked %masked_sort3A_808 : (vector<16xf32>, vector<16xi32>, vector<16xi1>) -> (vector<16xi1>, vector<16xf32>, vector<16xi32>)
        scf.yield %masked_sort3A_678, %masked_sort3A_679, %masked_sort3A_682, %masked_sort3A_683, %masked_sort3A_806, %masked_sort3A_807, %masked_sort3A_810, %masked_sort3A_811 : vector<16xf32>, vector<16xi32>, vector<16xf32>, vector<16xi32>, vector<16xf32>, vector<16xi32>, vector<16xf32>, vector<16xi32>
      }
      %get3A_229 = arith.index_cast %sub3A_118 : i32 to index
      %get3A_230 = tpu.vector_load %arg13[%get3A_229] {strides = array<i32>} : memref<8736xf32, #tpu.memory_space<vmem>>, vector<16xf32>,
      %slice3A_231 = vector.extract_strided_slice %get3A_230 {offsets = [0], sizes = [1], strides = [1]} : vector<16xf32> to vector<1xf32>
      %squeeze3A_232 = vector.extract %slice3A_231[0] : f32 from vector<1xf32>
      %get3A_233 = arith.index_cast %sub3A_118 : i32 to index
      %get3A_234 = tpu.vector_load %arg14[%get3A_233] {strides = array<i32>} : memref<8736xf32, #tpu.memory_space<vmem>>, vector<16xf32>,
      %slice3A_235 = vector.extract_strided_slice %get3A_234 {offsets = [0], sizes = [1], strides = [1]} : vector<16xf32> to vector<1xf32>
      %squeeze3A_236 = vector.extract %slice3A_235[0] : f32 from vector<1xf32>
      %get3A_237 = arith.index_cast %sub3A_118 : i32 to index
      %get3A_238 = tpu.vector_load %arg15[%get3A_237] {strides = array<i32>} : memref<8736xf32, #tpu.memory_space<vmem>>, vector<16xf32>,
      %slice3A_239 = vector.extract_strided_slice %get3A_238 {offsets = [0], sizes = [1], strides = [1]} : vector<16xf32> to vector<1xf32>
      %squeeze3A_240 = vector.extract %slice3A_239[0] : f32 from vector<1xf32>
      %mul3A_241 = arith.constant 2 : i32
      %mul3A_242 = arith.muli %scan3A_112, %mul3A_241 : i32
      %add3A_243 = arith.constant 0 : i32
      %add3A_244 = arith.addi %mul3A_242, %add3A_243 : i32
      %mul3A_245 = arith.constant 32 : i32
      %mul3A_246 = arith.muli %add3A_244, %mul3A_245 : i32
      %lt3A = arith.constant 5.000000e+17 : f32
      %lt3A_247 = vector.broadcast %lt3A : f32 to vector<16xf32>
      %lt3A_248 = arith.cmpf olt, %while3A_228#0, %lt3A_247 : vector<16xf32>
      %broadcast_in_dim3A_249 = vector.broadcast %add3A_115 : i32 to vector<16xi32>
      %select_n3A_250 = arith.select %lt3A_248, %while3A_228#1, %broadcast_in_dim3A_249 : vector<16xi1>, vector<16xi32>
      %sub3A_251 = vector.broadcast %multiple_of3A : i32 to vector<16xi32>
      %sub3A_252 = arith.subi %select_n3A_250, %sub3A_251 : vector<16xi32>
      %gather3A = tpu.vector_load_idx %arg13[%sub3A_252] : memref<8736xf32, #tpu.memory_space<vmem>>[vector<16xi32>], vector<16xf32>,
      %sub3A_253 = vector.broadcast %squeeze3A_232 : f32 to vector<16xf32>
      %sub3A_254 = arith.subf %gather3A, %sub3A_253 : vector<16xf32>
      %gather3A_255 = tpu.vector_load_idx %arg14[%sub3A_252] : memref<8736xf32, #tpu.memory_space<vmem>>[vector<16xi32>], vector<16xf32>,
      %sub3A_256 = vector.broadcast %squeeze3A_236 : f32 to vector<16xf32>
      %sub3A_257 = arith.subf %gather3A_255, %sub3A_256 : vector<16xf32>
      %gather3A_258 = tpu.vector_load_idx %arg15[%sub3A_252] : memref<8736xf32, #tpu.memory_space<vmem>>[vector<16xi32>], vector<16xf32>,
      %sub3A_259 = vector.broadcast %squeeze3A_240 : f32 to vector<16xf32>
      %sub3A_260 = arith.subf %gather3A_258, %sub3A_259 : vector<16xf32>
      %add3A_261 = arith.constant 0 : i32
      %add3A_262 = arith.addi %mul3A_246, %add3A_261 : i32
      %swap3A = arith.index_cast %add3A_262 : i32 to index
      %swap3A_263 = tpu.vector_load %arg22[%swap3A] {strides = array<i32>} : memref<8192xi32, #tpu.memory_space<vmem>>, vector<16xi32>,
      tpu.vector_store %arg22[%swap3A], %select_n3A_250 {strides = array<i32>} : memref<8192xi32, #tpu.memory_space<vmem>>, vector<16xi32>,
      %broadcast_in_dim3A_264 = vector.broadcast %add3A_115 : i32 to vector<16xi32>
      %swap3A_265 = arith.index_cast %add3A_262 : i32 to index
      %swap3A_266 = tpu.vector_load %arg23[%swap3A_265] {strides = array<i32>} : memref<8192xi32, #tpu.memory_space<vmem>>, vector<16xi32>,
      tpu.vector_store %arg23[%swap3A_265], %broadcast_in_dim3A_264 {strides = array<i32>} : memref<8192xi32, #tpu.memory_space<vmem>>, vector<16xi32>,
      %mul3A_267 = arith.mulf %sub3A_254, %sub3A_254 : vector<16xf32>
      %mul3A_268 = arith.mulf %sub3A_257, %sub3A_257 : vector<16xf32>
      %add3A_269 = arith.addf %mul3A_267, %mul3A_268 : vector<16xf32>
      %mul3A_270 = arith.mulf %sub3A_260, %sub3A_260 : vector<16xf32>
      %add3A_271 = arith.addf %add3A_269, %mul3A_270 : vector<16xf32>
      %bitcast3A = vector.bitcast %add3A_271 : vector<16xf32> to vector<16xi32>
      %shift_right_logical3A = arith.constant 1 : i32
      %shift_right_logical3A_272 = vector.broadcast %shift_right_logical3A : i32 to vector<16xi32>
      %shift_right_logical3A_273 = arith.shrui %bitcast3A, %shift_right_logical3A_272 : vector<16xi32>
      %add3A_274 = arith.constant 532487669 : i32
      %add3A_275 = vector.broadcast %add3A_274 : i32 to vector<16xi32>
      %add3A_276 = arith.addi %add3A_275, %shift_right_logical3A_273 : vector<16xi32>
      %bitcast3A_277 = vector.bitcast %add3A_276 : vector<16xi32> to vector<16xf32>
      %div3A_278 = arith.divf %add3A_271, %bitcast3A_277 : vector<16xf32>
      %add3A_279 = arith.addf %bitcast3A_277, %div3A_278 : vector<16xf32>
      %mul3A_280 = arith.constant 5.000000e-01 : f32
      %mul3A_281 = vector.broadcast %mul3A_280 : f32 to vector<16xf32>
      %mul3A_282 = arith.mulf %mul3A_281, %add3A_279 : vector<16xf32>
      %div3A_283 = arith.divf %add3A_271, %mul3A_282 : vector<16xf32>
      %add3A_284 = arith.addf %mul3A_282, %div3A_283 : vector<16xf32>
      %mul3A_285 = arith.constant 5.000000e-01 : f32
      %mul3A_286 = vector.broadcast %mul3A_285 : f32 to vector<16xf32>
      %mul3A_287 = arith.mulf %mul3A_286, %add3A_284 : vector<16xf32>
      %div3A_288 = arith.divf %add3A_271, %mul3A_287 : vector<16xf32>
      %add3A_289 = arith.addf %mul3A_287, %div3A_288 : vector<16xf32>
      %mul3A_290 = arith.constant 5.000000e-01 : f32
      %mul3A_291 = vector.broadcast %mul3A_290 : f32 to vector<16xf32>
      %mul3A_292 = arith.mulf %mul3A_291, %add3A_289 : vector<16xf32>
      %gt3A = arith.constant 0.000000e+00 : f32
      %gt3A_293 = vector.broadcast %gt3A : f32 to vector<16xf32>
      %gt3A_294 = arith.cmpf ogt, %add3A_271, %gt3A_293 : vector<16xf32>
      %jit3A_295 = arith.constant 0.000000e+00 : f32
      %broadcast_in_dim3A_296 = vector.broadcast %jit3A_295 : f32 to vector<16xf32>
      %select_n3A_297 = arith.select %gt3A_294, %mul3A_292, %broadcast_in_dim3A_296 : vector<16xi1>, vector<16xf32>
      %swap3A_298 = arith.index_cast %add3A_262 : i32 to index
      %swap3A_299 = tpu.vector_load %arg24[%swap3A_298] {strides = array<i32>} : memref<8192xf32, #tpu.memory_space<vmem>>, vector<16xf32>,
      tpu.vector_store %arg24[%swap3A_298], %select_n3A_297 {strides = array<i32>} : memref<8192xf32, #tpu.memory_space<vmem>>, vector<16xf32>,
      %swap3A_300 = arith.index_cast %add3A_262 : i32 to index
      %swap3A_301 = tpu.vector_load %arg25[%swap3A_300] {strides = array<i32>} : memref<8192xf32, #tpu.memory_space<vmem>>, vector<16xf32>,
      tpu.vector_store %arg25[%swap3A_300], %sub3A_254 {strides = array<i32>} : memref<8192xf32, #tpu.memory_space<vmem>>, vector<16xf32>,
      %swap3A_302 = arith.index_cast %add3A_262 : i32 to index
      %swap3A_303 = tpu.vector_load %arg26[%swap3A_302] {strides = array<i32>} : memref<8192xf32, #tpu.memory_space<vmem>>, vector<16xf32>,
      tpu.vector_store %arg26[%swap3A_302], %sub3A_257 {strides = array<i32>} : memref<8192xf32, #tpu.memory_space<vmem>>, vector<16xf32>,
      %swap3A_304 = arith.index_cast %add3A_262 : i32 to index
      %swap3A_305 = tpu.vector_load %arg27[%swap3A_304] {strides = array<i32>} : memref<8192xf32, #tpu.memory_space<vmem>>, vector<16xf32>,
      tpu.vector_store %arg27[%swap3A_304], %sub3A_260 {strides = array<i32>} : memref<8192xf32, #tpu.memory_space<vmem>>, vector<16xf32>,
      %lt3A_306 = arith.constant 5.000000e+17 : f32
      %lt3A_307 = vector.broadcast %lt3A_306 : f32 to vector<16xf32>
      %lt3A_308 = arith.cmpf olt, %while3A_228#2, %lt3A_307 : vector<16xf32>
      %broadcast_in_dim3A_309 = vector.broadcast %add3A_115 : i32 to vector<16xi32>
      %select_n3A_310 = arith.select %lt3A_308, %while3A_228#3, %broadcast_in_dim3A_309 : vector<16xi1>, vector<16xi32>
      %sub3A_311 = vector.broadcast %multiple_of3A : i32 to vector<16xi32>
      %sub3A_312 = arith.subi %select_n3A_310, %sub3A_311 : vector<16xi32>
      %gather3A_313 = tpu.vector_load_idx %arg13[%sub3A_312] : memref<8736xf32, #tpu.memory_space<vmem>>[vector<16xi32>], vector<16xf32>,
      %sub3A_314 = vector.broadcast %squeeze3A_232 : f32 to vector<16xf32>
      %sub3A_315 = arith.subf %gather3A_313, %sub3A_314 : vector<16xf32>
      %gather3A_316 = tpu.vector_load_idx %arg14[%sub3A_312] : memref<8736xf32, #tpu.memory_space<vmem>>[vector<16xi32>], vector<16xf32>,
      %sub3A_317 = vector.broadcast %squeeze3A_236 : f32 to vector<16xf32>
      %sub3A_318 = arith.subf %gather3A_316, %sub3A_317 : vector<16xf32>
      %gather3A_319 = tpu.vector_load_idx %arg15[%sub3A_312] : memref<8736xf32, #tpu.memory_space<vmem>>[vector<16xi32>], vector<16xf32>,
      %sub3A_320 = vector.broadcast %squeeze3A_240 : f32 to vector<16xf32>
      %sub3A_321 = arith.subf %gather3A_319, %sub3A_320 : vector<16xf32>
      %add3A_322 = arith.constant 16 : i32
      %add3A_323 = arith.addi %mul3A_246, %add3A_322 : i32
      %swap3A_324 = arith.index_cast %add3A_323 : i32 to index
      %swap3A_325 = tpu.vector_load %arg22[%swap3A_324] {strides = array<i32>} : memref<8192xi32, #tpu.memory_space<vmem>>, vector<16xi32>,
      tpu.vector_store %arg22[%swap3A_324], %select_n3A_310 {strides = array<i32>} : memref<8192xi32, #tpu.memory_space<vmem>>, vector<16xi32>,
      %broadcast_in_dim3A_326 = vector.broadcast %add3A_115 : i32 to vector<16xi32>
      %swap3A_327 = arith.index_cast %add3A_323 : i32 to index
      %swap3A_328 = tpu.vector_load %arg23[%swap3A_327] {strides = array<i32>} : memref<8192xi32, #tpu.memory_space<vmem>>, vector<16xi32>,
      tpu.vector_store %arg23[%swap3A_327], %broadcast_in_dim3A_326 {strides = array<i32>} : memref<8192xi32, #tpu.memory_space<vmem>>, vector<16xi32>,
      %mul3A_329 = arith.mulf %sub3A_315, %sub3A_315 : vector<16xf32>
      %mul3A_330 = arith.mulf %sub3A_318, %sub3A_318 : vector<16xf32>
      %add3A_331 = arith.addf %mul3A_329, %mul3A_330 : vector<16xf32>
      %mul3A_332 = arith.mulf %sub3A_321, %sub3A_321 : vector<16xf32>
      %add3A_333 = arith.addf %add3A_331, %mul3A_332 : vector<16xf32>
      %bitcast3A_334 = vector.bitcast %add3A_333 : vector<16xf32> to vector<16xi32>
      %shift_right_logical3A_335 = arith.constant 1 : i32
      %shift_right_logical3A_336 = vector.broadcast %shift_right_logical3A_335 : i32 to vector<16xi32>
      %shift_right_logical3A_337 = arith.shrui %bitcast3A_334, %shift_right_logical3A_336 : vector<16xi32>
      %add3A_338 = arith.constant 532487669 : i32
      %add3A_339 = vector.broadcast %add3A_338 : i32 to vector<16xi32>
      %add3A_340 = arith.addi %add3A_339, %shift_right_logical3A_337 : vector<16xi32>
      %bitcast3A_341 = vector.bitcast %add3A_340 : vector<16xi32> to vector<16xf32>
      %div3A_342 = arith.divf %add3A_333, %bitcast3A_341 : vector<16xf32>
      %add3A_343 = arith.addf %bitcast3A_341, %div3A_342 : vector<16xf32>
      %mul3A_344 = arith.constant 5.000000e-01 : f32
      %mul3A_345 = vector.broadcast %mul3A_344 : f32 to vector<16xf32>
      %mul3A_346 = arith.mulf %mul3A_345, %add3A_343 : vector<16xf32>
      %div3A_347 = arith.divf %add3A_333, %mul3A_346 : vector<16xf32>
      %add3A_348 = arith.addf %mul3A_346, %div3A_347 : vector<16xf32>
      %mul3A_349 = arith.constant 5.000000e-01 : f32
      %mul3A_350 = vector.broadcast %mul3A_349 : f32 to vector<16xf32>
      %mul3A_351 = arith.mulf %mul3A_350, %add3A_348 : vector<16xf32>
      %div3A_352 = arith.divf %add3A_333, %mul3A_351 : vector<16xf32>
      %add3A_353 = arith.addf %mul3A_351, %div3A_352 : vector<16xf32>
      %mul3A_354 = arith.constant 5.000000e-01 : f32
      %mul3A_355 = vector.broadcast %mul3A_354 : f32 to vector<16xf32>
      %mul3A_356 = arith.mulf %mul3A_355, %add3A_353 : vector<16xf32>
      %gt3A_357 = arith.constant 0.000000e+00 : f32
      %gt3A_358 = vector.broadcast %gt3A_357 : f32 to vector<16xf32>
      %gt3A_359 = arith.cmpf ogt, %add3A_333, %gt3A_358 : vector<16xf32>
      %jit3A_360 = arith.constant 0.000000e+00 : f32
      %broadcast_in_dim3A_361 = vector.broadcast %jit3A_360 : f32 to vector<16xf32>
      %select_n3A_362 = arith.select %gt3A_359, %mul3A_356, %broadcast_in_dim3A_361 : vector<16xi1>, vector<16xf32>
      %swap3A_363 = arith.index_cast %add3A_323 : i32 to index
      %swap3A_364 = tpu.vector_load %arg24[%swap3A_363] {strides = array<i32>} : memref<8192xf32, #tpu.memory_space<vmem>>, vector<16xf32>,
      tpu.vector_store %arg24[%swap3A_363], %select_n3A_362 {strides = array<i32>} : memref<8192xf32, #tpu.memory_space<vmem>>, vector<16xf32>,
      %swap3A_365 = arith.index_cast %add3A_323 : i32 to index
      %swap3A_366 = tpu.vector_load %arg25[%swap3A_365] {strides = array<i32>} : memref<8192xf32, #tpu.memory_space<vmem>>, vector<16xf32>,
      tpu.vector_store %arg25[%swap3A_365], %sub3A_315 {strides = array<i32>} : memref<8192xf32, #tpu.memory_space<vmem>>, vector<16xf32>,
      %swap3A_367 = arith.index_cast %add3A_323 : i32 to index
      %swap3A_368 = tpu.vector_load %arg26[%swap3A_367] {strides = array<i32>} : memref<8192xf32, #tpu.memory_space<vmem>>, vector<16xf32>,
      tpu.vector_store %arg26[%swap3A_367], %sub3A_318 {strides = array<i32>} : memref<8192xf32, #tpu.memory_space<vmem>>, vector<16xf32>,
      %swap3A_369 = arith.index_cast %add3A_323 : i32 to index
      %swap3A_370 = tpu.vector_load %arg27[%swap3A_369] {strides = array<i32>} : memref<8192xf32, #tpu.memory_space<vmem>>, vector<16xf32>,
      tpu.vector_store %arg27[%swap3A_369], %sub3A_321 {strides = array<i32>} : memref<8192xf32, #tpu.memory_space<vmem>>, vector<16xf32>,
      %get3A_371 = arith.index_cast %sub3A_119 : i32 to index
      %get3A_372 = tpu.vector_load %arg13[%get3A_371] {strides = array<i32>} : memref<8736xf32, #tpu.memory_space<vmem>>, vector<16xf32>,
      %slice3A_373 = vector.extract_strided_slice %get3A_372 {offsets = [0], sizes = [1], strides = [1]} : vector<16xf32> to vector<1xf32>
      %squeeze3A_374 = vector.extract %slice3A_373[0] : f32 from vector<1xf32>
      %get3A_375 = arith.index_cast %sub3A_119 : i32 to index
      %get3A_376 = tpu.vector_load %arg14[%get3A_375] {strides = array<i32>} : memref<8736xf32, #tpu.memory_space<vmem>>, vector<16xf32>,
      %slice3A_377 = vector.extract_strided_slice %get3A_376 {offsets = [0], sizes = [1], strides = [1]} : vector<16xf32> to vector<1xf32>
      %squeeze3A_378 = vector.extract %slice3A_377[0] : f32 from vector<1xf32>
      %get3A_379 = arith.index_cast %sub3A_119 : i32 to index
      %get3A_380 = tpu.vector_load %arg15[%get3A_379] {strides = array<i32>} : memref<8736xf32, #tpu.memory_space<vmem>>, vector<16xf32>,
      %slice3A_381 = vector.extract_strided_slice %get3A_380 {offsets = [0], sizes = [1], strides = [1]} : vector<16xf32> to vector<1xf32>
      %squeeze3A_382 = vector.extract %slice3A_381[0] : f32 from vector<1xf32>
      %mul3A_383 = arith.constant 2 : i32
      %mul3A_384 = arith.muli %scan3A_112, %mul3A_383 : i32
      %add3A_385 = arith.constant 1 : i32
      %add3A_386 = arith.addi %mul3A_384, %add3A_385 : i32
      %mul3A_387 = arith.constant 32 : i32
      %mul3A_388 = arith.muli %add3A_386, %mul3A_387 : i32
      %lt3A_389 = arith.constant 5.000000e+17 : f32
      %lt3A_390 = vector.broadcast %lt3A_389 : f32 to vector<16xf32>
      %lt3A_391 = arith.cmpf olt, %while3A_228#4, %lt3A_390 : vector<16xf32>
      %broadcast_in_dim3A_392 = vector.broadcast %add3A_117 : i32 to vector<16xi32>
      %select_n3A_393 = arith.select %lt3A_391, %while3A_228#5, %broadcast_in_dim3A_392 : vector<16xi1>, vector<16xi32>
      %sub3A_394 = vector.broadcast %multiple_of3A : i32 to vector<16xi32>
      %sub3A_395 = arith.subi %select_n3A_393, %sub3A_394 : vector<16xi32>
      %gather3A_396 = tpu.vector_load_idx %arg13[%sub3A_395] : memref<8736xf32, #tpu.memory_space<vmem>>[vector<16xi32>], vector<16xf32>,
      %sub3A_397 = vector.broadcast %squeeze3A_374 : f32 to vector<16xf32>
      %sub3A_398 = arith.subf %gather3A_396, %sub3A_397 : vector<16xf32>
      %gather3A_399 = tpu.vector_load_idx %arg14[%sub3A_395] : memref<8736xf32, #tpu.memory_space<vmem>>[vector<16xi32>], vector<16xf32>,
      %sub3A_400 = vector.broadcast %squeeze3A_378 : f32 to vector<16xf32>
      %sub3A_401 = arith.subf %gather3A_399, %sub3A_400 : vector<16xf32>
      %gather3A_402 = tpu.vector_load_idx %arg15[%sub3A_395] : memref<8736xf32, #tpu.memory_space<vmem>>[vector<16xi32>], vector<16xf32>,
      %sub3A_403 = vector.broadcast %squeeze3A_382 : f32 to vector<16xf32>
      %sub3A_404 = arith.subf %gather3A_402, %sub3A_403 : vector<16xf32>
      %add3A_405 = arith.constant 0 : i32
      %add3A_406 = arith.addi %mul3A_388, %add3A_405 : i32
      %swap3A_407 = arith.index_cast %add3A_406 : i32 to index
      %swap3A_408 = tpu.vector_load %arg22[%swap3A_407] {strides = array<i32>} : memref<8192xi32, #tpu.memory_space<vmem>>, vector<16xi32>,
      tpu.vector_store %arg22[%swap3A_407], %select_n3A_393 {strides = array<i32>} : memref<8192xi32, #tpu.memory_space<vmem>>, vector<16xi32>,
      %broadcast_in_dim3A_409 = vector.broadcast %add3A_117 : i32 to vector<16xi32>
      %swap3A_410 = arith.index_cast %add3A_406 : i32 to index
      %swap3A_411 = tpu.vector_load %arg23[%swap3A_410] {strides = array<i32>} : memref<8192xi32, #tpu.memory_space<vmem>>, vector<16xi32>,
      tpu.vector_store %arg23[%swap3A_410], %broadcast_in_dim3A_409 {strides = array<i32>} : memref<8192xi32, #tpu.memory_space<vmem>>, vector<16xi32>,
      %mul3A_412 = arith.mulf %sub3A_398, %sub3A_398 : vector<16xf32>
      %mul3A_413 = arith.mulf %sub3A_401, %sub3A_401 : vector<16xf32>
      %add3A_414 = arith.addf %mul3A_412, %mul3A_413 : vector<16xf32>
      %mul3A_415 = arith.mulf %sub3A_404, %sub3A_404 : vector<16xf32>
      %add3A_416 = arith.addf %add3A_414, %mul3A_415 : vector<16xf32>
      %bitcast3A_417 = vector.bitcast %add3A_416 : vector<16xf32> to vector<16xi32>
      %shift_right_logical3A_418 = arith.constant 1 : i32
      %shift_right_logical3A_419 = vector.broadcast %shift_right_logical3A_418 : i32 to vector<16xi32>
      %shift_right_logical3A_420 = arith.shrui %bitcast3A_417, %shift_right_logical3A_419 : vector<16xi32>
      %add3A_421 = arith.constant 532487669 : i32
      %add3A_422 = vector.broadcast %add3A_421 : i32 to vector<16xi32>
      %add3A_423 = arith.addi %add3A_422, %shift_right_logical3A_420 : vector<16xi32>
      %bitcast3A_424 = vector.bitcast %add3A_423 : vector<16xi32> to vector<16xf32>
      %div3A_425 = arith.divf %add3A_416, %bitcast3A_424 : vector<16xf32>
      %add3A_426 = arith.addf %bitcast3A_424, %div3A_425 : vector<16xf32>
      %mul3A_427 = arith.constant 5.000000e-01 : f32
      %mul3A_428 = vector.broadcast %mul3A_427 : f32 to vector<16xf32>
      %mul3A_429 = arith.mulf %mul3A_428, %add3A_426 : vector<16xf32>
      %div3A_430 = arith.divf %add3A_416, %mul3A_429 : vector<16xf32>
      %add3A_431 = arith.addf %mul3A_429, %div3A_430 : vector<16xf32>
      %mul3A_432 = arith.constant 5.000000e-01 : f32
      %mul3A_433 = vector.broadcast %mul3A_432 : f32 to vector<16xf32>
      %mul3A_434 = arith.mulf %mul3A_433, %add3A_431 : vector<16xf32>
      %div3A_435 = arith.divf %add3A_416, %mul3A_434 : vector<16xf32>
      %add3A_436 = arith.addf %mul3A_434, %div3A_435 : vector<16xf32>
      %mul3A_437 = arith.constant 5.000000e-01 : f32
      %mul3A_438 = vector.broadcast %mul3A_437 : f32 to vector<16xf32>
      %mul3A_439 = arith.mulf %mul3A_438, %add3A_436 : vector<16xf32>
      %gt3A_440 = arith.constant 0.000000e+00 : f32
      %gt3A_441 = vector.broadcast %gt3A_440 : f32 to vector<16xf32>
      %gt3A_442 = arith.cmpf ogt, %add3A_416, %gt3A_441 : vector<16xf32>
      %jit3A_443 = arith.constant 0.000000e+00 : f32
      %broadcast_in_dim3A_444 = vector.broadcast %jit3A_443 : f32 to vector<16xf32>
      %select_n3A_445 = arith.select %gt3A_442, %mul3A_439, %broadcast_in_dim3A_444 : vector<16xi1>, vector<16xf32>
      %swap3A_446 = arith.index_cast %add3A_406 : i32 to index
      %swap3A_447 = tpu.vector_load %arg24[%swap3A_446] {strides = array<i32>} : memref<8192xf32, #tpu.memory_space<vmem>>, vector<16xf32>,
      tpu.vector_store %arg24[%swap3A_446], %select_n3A_445 {strides = array<i32>} : memref<8192xf32, #tpu.memory_space<vmem>>, vector<16xf32>,
      %swap3A_448 = arith.index_cast %add3A_406 : i32 to index
      %swap3A_449 = tpu.vector_load %arg25[%swap3A_448] {strides = array<i32>} : memref<8192xf32, #tpu.memory_space<vmem>>, vector<16xf32>,
      tpu.vector_store %arg25[%swap3A_448], %sub3A_398 {strides = array<i32>} : memref<8192xf32, #tpu.memory_space<vmem>>, vector<16xf32>,
      %swap3A_450 = arith.index_cast %add3A_406 : i32 to index
      %swap3A_451 = tpu.vector_load %arg26[%swap3A_450] {strides = array<i32>} : memref<8192xf32, #tpu.memory_space<vmem>>, vector<16xf32>,
      tpu.vector_store %arg26[%swap3A_450], %sub3A_401 {strides = array<i32>} : memref<8192xf32, #tpu.memory_space<vmem>>, vector<16xf32>,
      %swap3A_452 = arith.index_cast %add3A_406 : i32 to index
      %swap3A_453 = tpu.vector_load %arg27[%swap3A_452] {strides = array<i32>} : memref<8192xf32, #tpu.memory_space<vmem>>, vector<16xf32>,
      tpu.vector_store %arg27[%swap3A_452], %sub3A_404 {strides = array<i32>} : memref<8192xf32, #tpu.memory_space<vmem>>, vector<16xf32>,
      %lt3A_454 = arith.constant 5.000000e+17 : f32
      %lt3A_455 = vector.broadcast %lt3A_454 : f32 to vector<16xf32>
      %lt3A_456 = arith.cmpf olt, %while3A_228#6, %lt3A_455 : vector<16xf32>
      %broadcast_in_dim3A_457 = vector.broadcast %add3A_117 : i32 to vector<16xi32>
      %select_n3A_458 = arith.select %lt3A_456, %while3A_228#7, %broadcast_in_dim3A_457 : vector<16xi1>, vector<16xi32>
      %sub3A_459 = vector.broadcast %multiple_of3A : i32 to vector<16xi32>
      %sub3A_460 = arith.subi %select_n3A_458, %sub3A_459 : vector<16xi32>
      %gather3A_461 = tpu.vector_load_idx %arg13[%sub3A_460] : memref<8736xf32, #tpu.memory_space<vmem>>[vector<16xi32>], vector<16xf32>,
      %sub3A_462 = vector.broadcast %squeeze3A_374 : f32 to vector<16xf32>
      %sub3A_463 = arith.subf %gather3A_461, %sub3A_462 : vector<16xf32>
      %gather3A_464 = tpu.vector_load_idx %arg14[%sub3A_460] : memref<8736xf32, #tpu.memory_space<vmem>>[vector<16xi32>], vector<16xf32>,
      %sub3A_465 = vector.broadcast %squeeze3A_378 : f32 to vector<16xf32>
      %sub3A_466 = arith.subf %gather3A_464, %sub3A_465 : vector<16xf32>
      %gather3A_467 = tpu.vector_load_idx %arg15[%sub3A_460] : memref<8736xf32, #tpu.memory_space<vmem>>[vector<16xi32>], vector<16xf32>,
      %sub3A_468 = vector.broadcast %squeeze3A_382 : f32 to vector<16xf32>
      %sub3A_469 = arith.subf %gather3A_467, %sub3A_468 : vector<16xf32>
      %add3A_470 = arith.constant 16 : i32
      %add3A_471 = arith.addi %mul3A_388, %add3A_470 : i32
      %swap3A_472 = arith.index_cast %add3A_471 : i32 to index
      %swap3A_473 = tpu.vector_load %arg22[%swap3A_472] {strides = array<i32>} : memref<8192xi32, #tpu.memory_space<vmem>>, vector<16xi32>,
      tpu.vector_store %arg22[%swap3A_472], %select_n3A_458 {strides = array<i32>} : memref<8192xi32, #tpu.memory_space<vmem>>, vector<16xi32>,
      %broadcast_in_dim3A_474 = vector.broadcast %add3A_117 : i32 to vector<16xi32>
      %swap3A_475 = arith.index_cast %add3A_471 : i32 to index
      %swap3A_476 = tpu.vector_load %arg23[%swap3A_475] {strides = array<i32>} : memref<8192xi32, #tpu.memory_space<vmem>>, vector<16xi32>,
      tpu.vector_store %arg23[%swap3A_475], %broadcast_in_dim3A_474 {strides = array<i32>} : memref<8192xi32, #tpu.memory_space<vmem>>, vector<16xi32>,
      %mul3A_477 = arith.mulf %sub3A_463, %sub3A_463 : vector<16xf32>
      %mul3A_478 = arith.mulf %sub3A_466, %sub3A_466 : vector<16xf32>
      %add3A_479 = arith.addf %mul3A_477, %mul3A_478 : vector<16xf32>
      %mul3A_480 = arith.mulf %sub3A_469, %sub3A_469 : vector<16xf32>
      %add3A_481 = arith.addf %add3A_479, %mul3A_480 : vector<16xf32>
      %bitcast3A_482 = vector.bitcast %add3A_481 : vector<16xf32> to vector<16xi32>
      %shift_right_logical3A_483 = arith.constant 1 : i32
      %shift_right_logical3A_484 = vector.broadcast %shift_right_logical3A_483 : i32 to vector<16xi32>
      %shift_right_logical3A_485 = arith.shrui %bitcast3A_482, %shift_right_logical3A_484 : vector<16xi32>
      %add3A_486 = arith.constant 532487669 : i32
      %add3A_487 = vector.broadcast %add3A_486 : i32 to vector<16xi32>
      %add3A_488 = arith.addi %add3A_487, %shift_right_logical3A_485 : vector<16xi32>
      %bitcast3A_489 = vector.bitcast %add3A_488 : vector<16xi32> to vector<16xf32>
      %div3A_490 = arith.divf %add3A_481, %bitcast3A_489 : vector<16xf32>
      %add3A_491 = arith.addf %bitcast3A_489, %div3A_490 : vector<16xf32>
      %mul3A_492 = arith.constant 5.000000e-01 : f32
      %mul3A_493 = vector.broadcast %mul3A_492 : f32 to vector<16xf32>
      %mul3A_494 = arith.mulf %mul3A_493, %add3A_491 : vector<16xf32>
      %div3A_495 = arith.divf %add3A_481, %mul3A_494 : vector<16xf32>
      %add3A_496 = arith.addf %mul3A_494, %div3A_495 : vector<16xf32>
      %mul3A_497 = arith.constant 5.000000e-01 : f32
      %mul3A_498 = vector.broadcast %mul3A_497 : f32 to vector<16xf32>
      %mul3A_499 = arith.mulf %mul3A_498, %add3A_496 : vector<16xf32>
      %div3A_500 = arith.divf %add3A_481, %mul3A_499 : vector<16xf32>
      %add3A_501 = arith.addf %mul3A_499, %div3A_500 : vector<16xf32>
      %mul3A_502 = arith.constant 5.000000e-01 : f32
      %mul3A_503 = vector.broadcast %mul3A_502 : f32 to vector<16xf32>
      %mul3A_504 = arith.mulf %mul3A_503, %add3A_501 : vector<16xf32>
      %gt3A_505 = arith.constant 0.000000e+00 : f32
      %gt3A_506 = vector.broadcast %gt3A_505 : f32 to vector<16xf32>
      %gt3A_507 = arith.cmpf ogt, %add3A_481, %gt3A_506 : vector<16xf32>
      %jit3A_508 = arith.constant 0.000000e+00 : f32
      %broadcast_in_dim3A_509 = vector.broadcast %jit3A_508 : f32 to vector<16xf32>
      %select_n3A_510 = arith.select %gt3A_507, %mul3A_504, %broadcast_in_dim3A_509 : vector<16xi1>, vector<16xf32>
      %swap3A_511 = arith.index_cast %add3A_471 : i32 to index
      %swap3A_512 = tpu.vector_load %arg24[%swap3A_511] {strides = array<i32>} : memref<8192xf32, #tpu.memory_space<vmem>>, vector<16xf32>,
      tpu.vector_store %arg24[%swap3A_511], %select_n3A_510 {strides = array<i32>} : memref<8192xf32, #tpu.memory_space<vmem>>, vector<16xf32>,
      %swap3A_513 = arith.index_cast %add3A_471 : i32 to index
      %swap3A_514 = tpu.vector_load %arg25[%swap3A_513] {strides = array<i32>} : memref<8192xf32, #tpu.memory_space<vmem>>, vector<16xf32>,
      tpu.vector_store %arg25[%swap3A_513], %sub3A_463 {strides = array<i32>} : memref<8192xf32, #tpu.memory_space<vmem>>, vector<16xf32>,
      %swap3A_515 = arith.index_cast %add3A_471 : i32 to index
      %swap3A_516 = tpu.vector_load %arg26[%swap3A_515] {strides = array<i32>} : memref<8192xf32, #tpu.memory_space<vmem>>, vector<16xf32>,
      tpu.vector_store %arg26[%swap3A_515], %sub3A_466 {strides = array<i32>} : memref<8192xf32, #tpu.memory_space<vmem>>, vector<16xf32>,
      %swap3A_517 = arith.index_cast %add3A_471 : i32 to index
      %swap3A_518 = tpu.vector_load %arg27[%swap3A_517] {strides = array<i32>} : memref<8192xf32, #tpu.memory_space<vmem>>, vector<16xf32>,
      tpu.vector_store %arg27[%swap3A_517], %sub3A_469 {strides = array<i32>} : memref<8192xf32, #tpu.memory_space<vmem>>, vector<16xf32>,
    }
    %scan3A_87 = arith.constant 128 : i32
    "tpu.trace_stop"() : () -> ()
    %mul3A_88 = arith.constant 32 : i32
    %mul3A_89 = arith.muli %mul3A_2, %mul3A_88 : i32
    "tpu.trace_start"() <{level = 10 : i32, message = "out"}> : () -> ()
    %dma_start3A = tpu.memref_slice %arg7[%mul3A_89] : memref<262144xi32, #tpu.memory_space<hbm>> -> memref<8192xi32, #tpu.memory_space<hbm>>
    %dma_start3A_90 = tpu.memref_slice %arg7[%mul3A_89] : memref<262144xi32, #tpu.memory_space<hbm>> -> memref<8192xi32, #tpu.memory_space<hbm>>
    tpu.enqueue_dma source(%arg22 : memref<8192xi32, #tpu.memory_space<vmem>>) target(%dma_start3A_90 : memref<8192xi32, #tpu.memory_space<hbm>>) target_semaphore(%arg28 : memref<!tpu.dma_semaphore, #tpu.memory_space<semaphore_mem>>)
    %dma_start3A_91 = tpu.memref_slice %arg8[%mul3A_89] : memref<262144xi32, #tpu.memory_space<hbm>> -> memref<8192xi32, #tpu.memory_space<hbm>>
    %dma_start3A_92 = tpu.memref_slice %arg8[%mul3A_89] : memref<262144xi32, #tpu.memory_space<hbm>> -> memref<8192xi32, #tpu.memory_space<hbm>>
    tpu.enqueue_dma source(%arg23 : memref<8192xi32, #tpu.memory_space<vmem>>) target(%dma_start3A_92 : memref<8192xi32, #tpu.memory_space<hbm>>) target_semaphore(%arg28 : memref<!tpu.dma_semaphore, #tpu.memory_space<semaphore_mem>>)
    %dma_start3A_93 = tpu.memref_slice %arg9[%mul3A_89] : memref<262144xf32, #tpu.memory_space<hbm>> -> memref<8192xf32, #tpu.memory_space<hbm>>
    %dma_start3A_94 = tpu.memref_slice %arg9[%mul3A_89] : memref<262144xf32, #tpu.memory_space<hbm>> -> memref<8192xf32, #tpu.memory_space<hbm>>
    tpu.enqueue_dma source(%arg24 : memref<8192xf32, #tpu.memory_space<vmem>>) target(%dma_start3A_94 : memref<8192xf32, #tpu.memory_space<hbm>>) target_semaphore(%arg28 : memref<!tpu.dma_semaphore, #tpu.memory_space<semaphore_mem>>)
    %dma_start3A_95 = tpu.memref_slice %arg10[%mul3A_89] : memref<262144xf32, #tpu.memory_space<hbm>> -> memref<8192xf32, #tpu.memory_space<hbm>>
    %dma_start3A_96 = tpu.memref_slice %arg10[%mul3A_89] : memref<262144xf32, #tpu.memory_space<hbm>> -> memref<8192xf32, #tpu.memory_space<hbm>>
    tpu.enqueue_dma source(%arg25 : memref<8192xf32, #tpu.memory_space<vmem>>) target(%dma_start3A_96 : memref<8192xf32, #tpu.memory_space<hbm>>) target_semaphore(%arg28 : memref<!tpu.dma_semaphore, #tpu.memory_space<semaphore_mem>>)
    %dma_start3A_97 = tpu.memref_slice %arg11[%mul3A_89] : memref<262144xf32, #tpu.memory_space<hbm>> -> memref<8192xf32, #tpu.memory_space<hbm>>
    %dma_start3A_98 = tpu.memref_slice %arg11[%mul3A_89] : memref<262144xf32, #tpu.memory_space<hbm>> -> memref<8192xf32, #tpu.memory_space<hbm>>
    tpu.enqueue_dma source(%arg26 : memref<8192xf32, #tpu.memory_space<vmem>>) target(%dma_start3A_98 : memref<8192xf32, #tpu.memory_space<hbm>>) target_semaphore(%arg28 : memref<!tpu.dma_semaphore, #tpu.memory_space<semaphore_mem>>)
    %dma_start3A_99 = tpu.memref_slice %arg12[%mul3A_89] : memref<262144xf32, #tpu.memory_space<hbm>> -> memref<8192xf32, #tpu.memory_space<hbm>>
    %dma_start3A_100 = tpu.memref_slice %arg12[%mul3A_89] : memref<262144xf32, #tpu.memory_space<hbm>> -> memref<8192xf32, #tpu.memory_space<hbm>>
    tpu.enqueue_dma source(%arg27 : memref<8192xf32, #tpu.memory_space<vmem>>) target(%dma_start3A_100 : memref<8192xf32, #tpu.memory_space<hbm>>) target_semaphore(%arg28 : memref<!tpu.dma_semaphore, #tpu.memory_space<semaphore_mem>>)
    %dma_wait3A = tpu.memref_slice %arg7[%mul3A_89] : memref<262144xi32, #tpu.memory_space<hbm>> -> memref<8192xi32, #tpu.memory_space<hbm>>
    %dma_wait3A_101 = tpu.memref_slice %arg7[%mul3A_89] : memref<262144xi32, #tpu.memory_space<hbm>> -> memref<8192xi32, #tpu.memory_space<hbm>>
    tpu.wait_dma2 semaphore(%arg28 : memref<!tpu.dma_semaphore, #tpu.memory_space<semaphore_mem>>) src(%arg22 : memref<8192xi32, #tpu.memory_space<vmem>>) dst(%dma_wait3A_101 : memref<8192xi32, #tpu.memory_space<hbm>>)
    %dma_wait3A_102 = tpu.memref_slice %arg8[%mul3A_89] : memref<262144xi32, #tpu.memory_space<hbm>> -> memref<8192xi32, #tpu.memory_space<hbm>>
    %dma_wait3A_103 = tpu.memref_slice %arg8[%mul3A_89] : memref<262144xi32, #tpu.memory_space<hbm>> -> memref<8192xi32, #tpu.memory_space<hbm>>
    tpu.wait_dma2 semaphore(%arg28 : memref<!tpu.dma_semaphore, #tpu.memory_space<semaphore_mem>>) src(%arg23 : memref<8192xi32, #tpu.memory_space<vmem>>) dst(%dma_wait3A_103 : memref<8192xi32, #tpu.memory_space<hbm>>)
    %dma_wait3A_104 = tpu.memref_slice %arg9[%mul3A_89] : memref<262144xf32, #tpu.memory_space<hbm>> -> memref<8192xf32, #tpu.memory_space<hbm>>
    %dma_wait3A_105 = tpu.memref_slice %arg9[%mul3A_89] : memref<262144xf32, #tpu.memory_space<hbm>> -> memref<8192xf32, #tpu.memory_space<hbm>>
    tpu.wait_dma2 semaphore(%arg28 : memref<!tpu.dma_semaphore, #tpu.memory_space<semaphore_mem>>) src(%arg24 : memref<8192xf32, #tpu.memory_space<vmem>>) dst(%dma_wait3A_105 : memref<8192xf32, #tpu.memory_space<hbm>>)
    %dma_wait3A_106 = tpu.memref_slice %arg10[%mul3A_89] : memref<262144xf32, #tpu.memory_space<hbm>> -> memref<8192xf32, #tpu.memory_space<hbm>>
    %dma_wait3A_107 = tpu.memref_slice %arg10[%mul3A_89] : memref<262144xf32, #tpu.memory_space<hbm>> -> memref<8192xf32, #tpu.memory_space<hbm>>
    tpu.wait_dma2 semaphore(%arg28 : memref<!tpu.dma_semaphore, #tpu.memory_space<semaphore_mem>>) src(%arg25 : memref<8192xf32, #tpu.memory_space<vmem>>) dst(%dma_wait3A_107 : memref<8192xf32, #tpu.memory_space<hbm>>)
    %dma_wait3A_108 = tpu.memref_slice %arg11[%mul3A_89] : memref<262144xf32, #tpu.memory_space<hbm>> -> memref<8192xf32, #tpu.memory_space<hbm>>
    %dma_wait3A_109 = tpu.memref_slice %arg11[%mul3A_89] : memref<262144xf32, #tpu.memory_space<hbm>> -> memref<8192xf32, #tpu.memory_space<hbm>>
    tpu.wait_dma2 semaphore(%arg28 : memref<!tpu.dma_semaphore, #tpu.memory_space<semaphore_mem>>) src(%arg26 : memref<8192xf32, #tpu.memory_space<vmem>>) dst(%dma_wait3A_109 : memref<8192xf32, #tpu.memory_space<hbm>>)
    %dma_wait3A_110 = tpu.memref_slice %arg12[%mul3A_89] : memref<262144xf32, #tpu.memory_space<hbm>> -> memref<8192xf32, #tpu.memory_space<hbm>>
    %dma_wait3A_111 = tpu.memref_slice %arg12[%mul3A_89] : memref<262144xf32, #tpu.memory_space<hbm>> -> memref<8192xf32, #tpu.memory_space<hbm>>
    tpu.wait_dma2 semaphore(%arg28 : memref<!tpu.dma_semaphore, #tpu.memory_space<semaphore_mem>>) src(%arg27 : memref<8192xf32, #tpu.memory_space<vmem>>) dst(%dma_wait3A_111 : memref<8192xf32, #tpu.memory_space<hbm>>)
    "tpu.trace_stop"() : () -> ()
    return
  }
}

</mosaic_0001>

<sc_bundles>
// kernel: kernel.3.cloned.1.call-start
scs
__scs_entry_jumppad:
0x0: {  	(pc) =	sbr.rel $0x88, $3  }
0x1: {  	(tag) =	ssettag $0x0;
	lr =	simm.s32 $0x1  }
0x2: {  	[smem:$0x3F9F] =	sst lr;
	_ =	strace $0xD0000000  }
0x3: {  	_ = 	snop  }
0x4: {  	_ = 	snop  }
0x5: {  	_ = 	snop  }
0x6: {  	_ = 	snop  }
0x7: {  	_ = 	snop  }
__scs_overlays_trampoline_lowered:
0x8: {  	[smem:$0x3FAE] =	sst s0  }
0x9: {  	[smem:$0x3FAF] =	sst s1  }
0xa: {  	[smem:$0x3FB0] =	sst s2  }
0xb: {  	[smem:$0x3FB1] =	sst s3  }
0xc: {  	[smem:$0x3FB2] =	sst s4  }
0xd: {  	[smem:$0x3FB3] =	sst s5  }
0xe: {  	[smem:$0x3FB4] =	sst s6  }
0xf: {  	[smem:$0x3FB5] =	sst s7  }
0x10: {  	[smem:$0x3FB6] =	sst s8  }
0x11: {  	[smem:$0x3FB7] =	sst s9;
	s0 =	simm.s32 @!p0 $0x0  }
0x12: {  	s1 =	sld [smem:$0x3F9D];
	s0 =	simm.s32 @p0 $0x1  }
0x13: {  	[smem:$0x3FB8] =	sst s0;
	s0 =	simm.s32 @!p1 $0x0  }
0x14: {  	s2 =	sld [smem:$0x3F9C];
	s0 =	simm.s32 @p1 $0x1  }
0x15: {  	[smem:$0x3FB9] =	sst s0;
	s0 =	simm.s32 @!p2 $0x0  }
0x16: {  	s3 =	sld [smem:$0x3FDB];
	s0 =	simm.s32 @p2 $0x1  }
0x17: {  	s4 =	simm.s32 $0x1BF5;
	[smem:$0x3FBB] =	sst s0  }
0x18: {  	s0 =	sld [smem:$0x3F9E];
	_ =	swait.ge [sflag:s4], $0x0  }
0x19: {  	s7 =	sld [smem:$0x3F9F]  }
0x1a: {  	s8 =	sadd.s32 $0xFFFFE003, lr  }
0x1b: {  	s9 =	sadd.s32 $0xFFFFFEF7, lr;
	s5 =	simm.s32 $0xFFFFFFFF;
	p2 =	slt.u32 s8, $0xFFFFF086  }
0x1c: {  	p1 =	slt.u32 s9, $0xF7A;
	s5 =	simm.s32 @!p2 $0x0  }
0x1d: {  	s5 =	simm.s32 @p1 $0x1;
	p0 =	seq.s32 s7, s2  }
0x1e: {  	s7 =	smul.u32 @!p0 $0xF7A, s2;
	p2 =	seq.s32 @!p0 s5, $0x0  }
0x1f: {  	s9 =	smul.u32 $0xF7A, s1;
	s8 =	simm.s32 @!p0 $0x1BF5;
	p2 =	por !p2, p0  }
0x20: {  	[sflag:s8] =	ssyncset.s32 @!p0 $0xFFFFF086;
	s6 =	sadd.s32 @!p0 s3, s7;
	s7 =	simm.s32 @!p0 $0x108  }
0x21: {  	s3 =	sadd.s32 s3, s9;
	s6 =	sadd.s32 @!p0 $0x88, s6;
	s7 =	simm.s32 @p2 $0x1082  }
0x22: {  	[simem:s7], [sflag:s8] =	dma.local @!p0 [hbm:s6], $0xF7A  }
0x23: {  	s9 =	sor.u32 $0xD0000000, s2;
	s6 =	simm.s32 $0x108;
	_ =	swait.ge @!p0 [sflag:s8], $0x0  }
0x24: {  	s3 =	sadd.s32 $0x88, s3;
	s6 =	simm.s32 @!p1 $0x1082;
	[sflag:s4] =	ssyncset.s32 $0xFFFFF086  }
0x25: {  	[simem:s6], [sflag:s4] =	dma.local [hbm:s3], $0xF7A  }
0x26: {  	[smem:$0x3F9F] =	sst s1;
	(tag) =	ssettag s2;
	_ =	strace s9  }
0x27: {  	s1 =	sld [smem:$0x3FAF]  }
0x28: {  	s2 =	sld [smem:$0x3FB0]  }
0x29: {  	s4 =	sld [smem:$0x3FB2]  }
0x2a: {  	p0 =	seq.s32 s5, $0x0;
	s5 =	sld [smem:$0x3FB3]  }
0x2b: {  	s6 =	sld [smem:$0x3FB4]  }
0x2c: {  	s7 =	sld [smem:$0x3FB5]  }
0x2d: {  	s3 =	simm.s32 $0x108;
	s8 =	sld [smem:$0x3FB6]  }
0x2e: {  	s3 =	simm.s32 @!p0 $0x1082;
	s9 =	sld [smem:$0x3FB7]  }
0x2f: {  	lr =	sadd.s32 s0, s3;
	s0 =	sld [smem:$0x3FAE]  }
0x30: {  	s3 =	sld [smem:$0x3FB1]  }
0x31: {  	[smem:$0x3FBA] =	sst s10  }
0x32: {  	s10 =	sld [smem:$0x3FB8];
	_ =	sdelay $0x3  }
0x33: {  	p0 =	seq.s32 s10, $0x1;
	s10 =	sld [smem:$0x3FBA];
	_ =	sdelay $0x3  }
0x34: {  	[smem:$0x3FBA] =	sst s10  }
0x35: {  	s10 =	sld [smem:$0x3FB9];
	_ =	sdelay $0x3  }
0x36: {  	p1 =	seq.s32 s10, $0x1;
	s10 =	sld [smem:$0x3FBA];
	_ =	sdelay $0x3  }
0x37: {  	[smem:$0x3FBA] =	sst s10  }
0x38: {  	s10 =	sld [smem:$0x3FBB]  }
0x39: {  	_ = 	snop;
	(pc) =	sbr.ind lr, $3  }
0x3a: {  	_ = 	snop  }
0x3b: {  	_ = 	snop  }
0x3c: {  	p2 =	seq.s32 s10, $0x1;
	s10 =	sld [smem:$0x3FBA]  }
0x3d: {  	_ =	shalt  }
0x3e: {  	_ =	shalt  }
0x3f: {  	_ =	shalt  }
0x40: {  	_ =	shalt  }
0x41: {  	_ =	shalt  }
0x42: {  	_ =	shalt  }
0x43: {  	_ =	shalt  }
0x44: {  	_ =	shalt  }
0x45: {  	_ =	shalt  }
0x46: {  	_ =	shalt  }
0x47: {  	_ =	shalt  }
0x48: {  	_ =	shalt  }
0x49: {  	_ =	shalt  }
0x4a: {  	_ =	shalt  }
0x4b: {  	_ =	shalt  }
0x4c: {  	_ =	shalt  }
0x4d: {  	_ =	shalt  }
0x4e: {  	_ =	shalt  }
0x4f: {  	_ =	shalt  }
0x50: {  	_ =	shalt  }
0x51: {  	_ =	shalt  }
0x52: {  	_ =	shalt  }
0x53: {  	_ =	shalt  }
0x54: {  	_ =	shalt  }
0x55: {  	_ =	shalt  }
0x56: {  	_ =	shalt  }
0x57: {  	_ =	shalt  }
0x58: {  	_ =	shalt  }
0x59: {  	_ =	shalt  }
0x5a: {  	_ =	shalt  }
0x5b: {  	_ =	shalt  }
0x5c: {  	_ =	shalt  }
0x5d: {  	_ =	shalt  }
0x5e: {  	_ =	shalt  }
0x5f: {  	_ =	shalt  }
0x60: {  	_ =	shalt  }
0x61: {  	_ =	shalt  }
0x62: {  	_ =	shalt  }
0x63: {  	_ =	shalt  }
0x64: {  	_ =	shalt  }
0x65: {  	_ =	shalt  }
0x66: {  	_ =	shalt  }
0x67: {  	_ =	shalt  }
0x68: {  	_ =	shalt  }
0x69: {  	_ =	shalt  }
0x6a: {  	_ =	shalt  }
0x6b: {  	_ =	shalt  }
0x6c: {  	_ =	shalt  }
0x6d: {  	_ =	shalt  }
0x6e: {  	_ =	shalt  }
0x6f: {  	_ =	shalt  }
0x70: {  	_ =	shalt  }
0x71: {  	_ =	shalt  }
0x72: {  	_ =	shalt  }
0x73: {  	_ =	shalt  }
0x74: {  	_ =	shalt  }
0x75: {  	_ =	shalt  }
0x76: {  	_ =	shalt  }
0x77: {  	_ =	shalt  }
0x78: {  	_ =	shalt  }
0x79: {  	_ =	shalt  }
0x7a: {  	_ =	shalt  }
0x7b: {  	_ =	shalt  }
0x7c: {  	_ =	shalt  }
0x7d: {  	_ =	shalt  }
0x7e: {  	_ =	shalt  }
0x7f: {  	_ =	shalt  }
0x80: {  	_ =	shalt  }
0x81: {  	_ =	shalt  }
0x82: {  	_ =	shalt  }
0x83: {  	_ =	shalt  }
0x84: {  	_ =	shalt  }
0x85: {  	_ =	shalt  }
0x86: {  	_ =	shalt  }
0x87: {  	_ =	shalt  }
.Lfunc_end0:
.L_simem_size_0:
called_computation_lowered:
.L_overlay_start_0:
0x88: {  	s2 =	sld [smem:$0x3FD9]  }
0x89: {  	s3 =	sld [smem:$0x3FFE];
	_ =	sdelay $0x1  }
0x8a: {  	s1 =	srdreg.scid  }
0x8b: {  	s0 =	sand.u32 $0x1, s1  }
0x8c: {  	s14 =	sshll.u32 s0, $0xA;
	s2 =	sadd.s32 s3, s2  }
0x8d: {  	s2 =	sadd.s32 s2, s14  }
0x8e: {  	[smem:$0x3FC6] =	sst s2  }
0x8f: {  	_ = 	snop  }
0x90: {  	s2 =	sld [smem:$0x3FD0];
	_ =	sdelay $0x2  }
0x91: {  	s4 =	simm.s32 $0xA;
	s5 =	simm.s32 $0x10;
	s15 =	sld [smem:$0x3FC8]  }
0x92: {  	[smem:s5], [sflag:s4] =	dma.local [hbm:s2], $0x1  }
0x93: {  	_ =	swait.eq [sflag:s4], $0x1  }
0x94: {  	s16 =	sld [smem:$0x10];
	[sflag:s4] =	ssyncset.done $0x0  }
0x95: {  	s17 =	sld [smem:$0x11];
	[sflag:s4] =	ssyncadd.s32 $0xFFFFFFFF  }
0x96: {  	s18 =	sld [smem:$0x12];
	(tm) =	ssettm $0x1  }
0x97: {  	s6 =	sld [smem:$0x3FFB];
	_ =	sdelay $0x3  }
0x98: {  	_ =	strace s6  }
0x99: {  	s6 =	sld [smem:$0x3FFC];
	_ =	sdelay $0x3  }
0x9a: {  	_ =	strace s6  }
0x9b: {  	s6 =	sld [smem:$0x3FFD];
	_ =	sdelay $0x3  }
0x9c: {  	_ =	strace s6  }
0x9d: {  	_ =	strace $0x8FFFFFFF  }
0x9e: {  	s19 =	sld [smem:$0x3FDB];
	_ =	sdelay $0x1  }
0x9f: {  	s7 =	simm.s32 $_scs_section_size  }
0xa0: {  	s8 =	simm.s32 $_size__tile_overlayer_lowered;
	s9 =	simm.s32 $_tile_overlayer_lowered  }
0xa1: {  	s22 =	simm.s32 $0x1BFF;
	s21 =	sshll.u32 s9, $0x1;
	s6 =	sadd.s32 s7, s19  }
0xa2: {  	s10 =	simm.s32 $0x0;
	s20 =	sshll.u32 s8, $0x1;
	s8 =	sadd.s32 s21, s6  }
0xa3: {  	[timem:s10], [sflag:s22] =	dma.local [hbm:s8], s20  }
0xa4: {  	_ =	swait.ge [sflag:s22], s20  }
0xa5: {  	s7 =	ssub.s32 $0x0, s20;
	[sflag:s22] =	ssyncset.done $0x0  }
0xa6: {  	[sflag:s22] =	ssyncadd.s32 s7;
	_ =	sdelay $0x1  }
0xa7: {  	s23 =	simm.s32 $0x1B8B  }
0xa8: {  	_ =	swait.ge [sflag:s23], $0x1  }
0xa9: {  	[sflag:s23] =	ssyncset.done $0x0  }
0xaa: {  	s25 =	simm.s32 $0x1B8E;
	s24 =	sld [smem:$0x3FFE];
	[sflag:s23] =	ssyncadd.s32 $0xFFFFFFFF  }
0xab: {  	s26 =	simm.s32 $execute0_lowered;
	[smem:$0x3FD2] =	sst s25  }
0xac: {  	s8 =	sshll.u32 s26, $0x1;
	_ =	strace $0x80000046;
	[dreg:$0x1] =	wrdreg $0xFFFFFFFF  }
0xad: {  	s28 =	simm.s32 $_size_execute0_lowered;
	s6 =	sadd.s32 s6, s8;
	[dreg:$0x0] =	wrdreg $0x0  }
0xae: {  	s8 =	sshll.u32 s28, $0x1;
	[dreg:$0x2] =	wrdreg s6  }
0xaf: {  	[dreg:$0x3] =	wrdreg s8  }
0xb0: {  	[dreg:$0x4] =	wrdreg $0xC0  }
0xb1: {  	_ =	task [dreg:s10], $0x5FFFF  }
0xb2: {  	[dreg:$0x1] =	wrdreg $0xFFFFFFFF  }
0xb3: {  	[dreg:$0x0] =	wrdreg $0x60  }
0xb4: {  	[dreg:$0x2] =	wrdreg s16  }
0xb5: {  	[dreg:$0x3] =	wrdreg s24  }
0xb6: {  	[dreg:$0x4] =	wrdreg s15  }
0xb7: {  	[dreg:$0x5] =	wrdreg s18  }
0xb8: {  	[dreg:$0x6] =	wrdreg s17  }
0xb9: {  	[dreg:$0x7] =	wrdreg $0x9  }
0xba: {  	_ =	task.clear_ibuf [dreg:s10], $0x8FFFF;
	_ =	strace $0x90000046  }
0xbb: {  	s29 =	simm.s32 $0x9;
	_ =	strace $0x8000004D  }
0xbc: {  	_ =	swait.ge [sflag:s29], $0x1  }
0xbd: {  	[sflag:s29] =	ssyncadd.s32 $0xFFFFFFFF  }
0xbe: {  	_ =	strace $0x9000004D  }
0xbf: {  	_ =	sfence  }
0xc0: {  	s30 =	sld [smem:$0x0];
	_ =	sdelay $0x2  }
0xc1: {  	s31 =	sshll.u32 s1, $0xD;
	s1 =	sshrl.u32 s1, $0x2  }
0xc2: {  	s3 =	sand.u32 $0x4000, s31;
	s1 =	sadd.s32 s1, s30  }
0xc3: {  	s0 =	sor.u32 s3, s0;
	s1 =	sshll.u32 s1, $0x11  }
0xc4: {  	s0 =	sor.u32 s1, s0  }
0xc5: {  	s0 =	sadd.s32 $0x8F2B, s0  }
0xc6: {  	[sflag:s0] =	ssyncadd.remote.s32 $0x1  }
0xc7: {  	_ =	sfence.sel $0xFFFF  }
0xc8: {  	[dreg:$0x0] =	wrdreg $0xFFFFFFFF;
	(pc) =	sbr.abs _section_cstart, $3  }
0xc9: {  	[dreg:$0x1] =	wrdreg $0xFFFFFFFF  }
0xca: {  	_ =	task.clear_ibuf [dreg:s10], $0x2FFFF;
	_ =	strace $0x9FFFFFFF  }
0xcb: {  	(tm) =	ssettm $0x7FFFFFFF  }
tec
execute0_lowered:
.L_overlay_start_1:
0x0: {  	(tag) =	ssettag $0x1  }
0x1: {  	s1 =	rddreg [dreg:$0x0]  }
0x2: {  	s0 =	rddreg [dreg:$0x1]  }
0x3: {  	s2 =	rddreg [dreg:$0x2]  }
0x4: {  	s6 =	rddreg [dreg:$0x3]  }
0x5: {  	s8 =	rddreg [dreg:$0x4]  }
0x6: {  	s3 =	simm.s32 $0x0;
	s4 =	srdreg.scid;
	s5 =	stileid.u32  }
0x7: {  	s17 =	simm.s32 $0x2;
	s19 =	simm.s32 $0x1;
	s20 =	simm.s32 $0x2280  }
0x8: {  	s21 =	simm.s32 $0x4500;
	s29 =	simm.s32 $0x0;
	[smem:$0x7FF] =	sst s3  }
0x9: {  	s7 =	sand.u32 $0x1, s4;
	s5 =	sshll.u32 s5, $0x1;
	s4 =	sadd.s32 $0xE00, s0  }
0xa: {  	s11 =	sadd.s32 $0xC00, s0;
	_ =	strace $0x80000047;
	s9 =	sor.u32 s7, s5  }
0xb: {  	s5 =	sadd.s32 $0x1400, s0;
	s7 =	ssub.s32 $0x2, s7;
	s10 =	sshll.u32 s9, $0xA  }
0xc: {  	[dreg:$0x6] =	wrdreg s11;
	s28 =	sshrl.u32 s7, $0x1;
	s0 =	sadd.s32 s10, s0  }
.Ltmp0:
0xd: {  	s15 =	ssub.s32 s7, s28;
	s7 =	sshll.u32 s9, $0x8;
	(pc) =	sbr.rel .LBB2_1-.Ltmp0, $4  }
0xe: {  	v0 =	vlaneseq.u32;
	s9 =	sshll.u32 s9, $0x5;
	s30 =	sadd.s32 s6, s10;
	s11 =	sadd.s32 s8, s10  }
0xf: {  	v2 =	vmul.u32 $0xFFFFFFFF, v0;
	s2 =	sadd.s32 s2, s9;
	[dreg:$0x8] =	wrdreg s30;
	s31 =	sadd.s32 $0x1A00, s0  }
0x10: {  	s12 =	sadd.s32 $0x9A00, s0;
	s13 =	sadd.s32 $0x11A00, s0;
	[dreg:$0x7] =	wrdreg s2  }
0x11: {  	v1 =	vor.u32 $0x10, v0;
	v2 =	vadd.s32 $0xF, v2;
	s14 =	sadd.s32 $0x19A00, s0;
	s15 =	smax.u32 s15, $0x1;
	[dreg:$0x9] =	wrdreg s31  }
.LBB2_26:
0x12: {  	_ =	strace $0x9000004B  }
0x13: {  	_ =	strace $0x8000004C  }
0x14: {  	s2 =	simm.s32 $0xF380;
	s0 =	rddreg [dreg:$0x8]  }
0x15: {  	[hbm4b:s0+s3] =	stream.linear.scatter [tilespmem:s2], [sflag:$0x1], $0x2000, $0x200038;
	[tilespmem:$0x1B380] =	vst v63  }
0x16: {  	s25 =	simm.s32 $0x11380;
	s24 =	rddreg [dreg:$0x9]  }
0x17: {  	[hbm4b:s24+s3] =	stream.linear.scatter [tilespmem:s25], [sflag:$0x1], $0x2000, $0x200038;
	[tilespmem:$0x1B380] =	vst v63  }
0x18: {  	s26 =	simm.s32 $0x13380  }
0x19: {  	[hbm4b:s11+s3] =	stream.linear.scatter [tilespmem:s26], [sflag:$0x1], $0x2000, $0x200038;
	[tilespmem:$0x1B380] =	vst v63  }
0x1a: {  	s28 =	simm.s32 $0x15380  }
0x1b: {  	[hbm4b:s12+s3] =	stream.linear.scatter [tilespmem:s28], [sflag:$0x1], $0x2000, $0x200038;
	[tilespmem:$0x1B380] =	vst v63  }
0x1c: {  	s30 =	simm.s32 $0x17380  }
0x1d: {  	[hbm4b:s13+s3] =	stream.linear.scatter [tilespmem:s30], [sflag:$0x1], $0x2000, $0x200038;
	[tilespmem:$0x1B380] =	vst v63  }
0x1e: {  	s31 =	simm.s32 $0x19380  }
0x1f: {  	[hbm4b:s14+s3] =	stream.linear.scatter [tilespmem:s31], [sflag:$0x1], $0x2000, $0x200038;
	[tilespmem:$0x1B380] =	vst v63  }
0x20: {  	_ =	swait.ge [sflag:s19], $0x2000  }
0x21: {  	[sflag:s19] =	ssyncset.done $0x0  }
0x22: {  	[sflag:s19] =	ssyncadd.s32 $0xFFFFE000  }
0x23: {  	_ =	swait.ge [sflag:s19], $0x2000  }
0x24: {  	[sflag:s19] =	ssyncset.done $0x0  }
0x25: {  	[sflag:s19] =	ssyncadd.s32 $0xFFFFE000  }
0x26: {  	_ =	swait.ge [sflag:s19], $0x2000  }
0x27: {  	[sflag:s19] =	ssyncset.done $0x0  }
0x28: {  	[sflag:s19] =	ssyncadd.s32 $0xFFFFE000  }
0x29: {  	_ =	swait.ge [sflag:s19], $0x2000  }
0x2a: {  	[sflag:s19] =	ssyncset.done $0x0  }
0x2b: {  	[sflag:s19] =	ssyncadd.s32 $0xFFFFE000  }
0x2c: {  	s29 =	sadd.s32 $0x1, s29;
	_ =	swait.ge [sflag:s19], $0x2000  }
0x2d: {  	p0 =	sne.s32 s29, s15;
	[sflag:s19] =	ssyncset.done $0x0  }
.Ltmp1:
0x2e: {  	[sflag:s19] =	ssyncadd.s32 $0xFFFFE000;
	(pc) =	sbr.rel @!p0 .LBB2_27-.Ltmp1, $4  }
0x2f: {  	_ =	swait.ge [sflag:s19], $0x2000  }
0x30: {  	[sflag:s19] =	ssyncset.done $0x0  }
0x31: {  	[sflag:s19] =	ssyncadd.s32 $0xFFFFE000  }
0x32: {  	_ =	strace $0x9000004C  }
.LBB2_1:
0x33: {  	_ =	strace $0x80000048  }
0x34: {  	s2 =	simm.s32 $0xF180;
	s0 =	rddreg [dreg:$0x7]  }
0x35: {  	[tilespmem:s2], [sflag:$0x2] =	stream.linear.gather [hbm4b:s0+s3], $0x100, $0x200038;
	[tilespmem:$0x1B380] =	vst v63  }
0x36: {  	_ =	swait.ge [sflag:s17], $0x100  }
0x37: {  	[sflag:s17] =	ssyncset.done $0x0  }
0x38: {  	s25 =	simm.s32 $0xF300;
	s24 =	rddreg [dreg:$0x6];
	[sflag:s17] =	ssyncadd.s32 $0xFFFFFF00  }
0x39: {  	[tilespmem:s25], [sflag:$0x2] =	stream.linear.gather [hbm4b:s24+s3], $0x80, $0x200038;
	[tilespmem:$0x1B380] =	vst v63  }
0x3a: {  	_ =	swait.ge [sflag:s17], $0x80  }
0x3b: {  	[sflag:s17] =	ssyncset.done $0x0  }
0x3c: {  	[sflag:s17] =	ssyncadd.s32 $0xFFFFFF80  }
0x3d: {  	_ =	strace $0x90000048  }
0x3e: {  	v3 =	vld [tilespmem:$0xF180]  }
0x3f: {  	v4 =	vld [tilespmem:$0xF27F];
	_ =	sdelay $0x3  }
0x40: {  	(v2sf) =	vpush v3, $0x0  }
0x41: {  	(v2sf) =	vpush v4, $0x0;
	_ =	sdelay $0xd  }
0x42: {  	s26 =	spop (v2sf)  }
0x43: {  	s28 =	spop (v2sf);
	v3 =	vld [tilespmem:s26+$0xF300]  }
0x44: {  	v63 =	vld [tilespmem:s28+$0xF300];
	_ =	sdelay $0x3  }
0x45: {  	(v2sf) =	vpush v3, $0x0  }
0x46: {  	(v2sf) =	vpush v63, $0x1;
	_ =	sdelay $0xd  }
0x47: {  	s0 =	spop (v2sf)  }
0x48: {  	s6 =	spop (v2sf);
	s30 =	sand.u32 $0xFFFFFFF8, s0  }
0x49: {  	s2 =	ssub.s32 s6, s30  }
0x4a: {  	s8 =	sadd.s32 $0x20F, s2  }
0x4b: {  	s9 =	sand.u32 $0x1FF, s8  }
0x4c: {  	s31 =	sshra.s32 s8, $0x1F;
	p1 =	slt.s32 s8, $0x1;
	p0 =	sne.s32 s9, $0x0  }
0x4d: {  	s9 =	sshrl.u32 s31, $0x17;
	p0 =	por !p1, !p0  }
0x4e: {  	s8 =	sadd.s32 s9, s8;
	s9 =	simm.s32 $0x1;
	p0 =	por !p0, !p0  }
0x4f: {  	s8 =	sshra.s32 s8, $0x9;
	s9 =	simm.s32 @!p0 $0x0  }
0x50: {  	s8 =	ssub.s32 s8, s9  }
0x51: {  	p0 =	slt.s32 s8, $0x1  }
.Ltmp2:
0x52: {  	_ = 	snop;
	(pc) =	sbr.rel @p0 .LBB2_8-.Ltmp2, $2  }
0x53: {  	_ =	sdelay $0x2  }
0x54: {  	_ =	strace $0x80000049  }
0x55: {  	p1 =	sne.s32 s8, $0x1  }
.Ltmp3:
0x56: {  	_ = 	snop;
	(pc) =	sbr.rel @!p1 .LBB2_3-.Ltmp3, $2  }
0x57: {  	_ =	sdelay $0x2  }
0x58: {  	s8 =	sadd.s32 $0xFFFFFFFF, s8;
	s10 =	sshrl.u32 s0, $0x3;
	p0 =	por $0x0, $0x0  }
0x59: {  	s9 =	sadd.s32 s1, s10  }
0x5a: {  	[tilespmem:s3], [sflag:$0x1] =	stream.linear.gather [hbm4b:s9+s3], $0x200, $0x200038;
	[tilespmem:$0x1B380] =	vst v63  }
0x5b: {  	s28 =	sadd.s32 s4, s10  }
0x5c: {  	[tilespmem:s20], [sflag:$0x1] =	stream.linear.gather [hbm4b:s28+s3], $0x200, $0x200038;
	[tilespmem:$0x1B380] =	vst v63  }
0x5d: {  	s31 =	sadd.s32 s5, s10  }
0x5e: {  	[tilespmem:s21], [sflag:$0x1] =	stream.linear.gather [hbm4b:s31+s3], $0x200, $0x200038;
	[tilespmem:$0x1B380] =	vst v63  }
0x5f: {  	_ =	swait.ge [sflag:s19], $0x200  }
0x60: {  	[sflag:s19] =	ssyncset.done $0x0  }
0x61: {  	p1 =	sne.s32 s8, $0x1;
	[sflag:s19] =	ssyncadd.s32 $0xFFFFFE00  }
.Ltmp4:
0x62: {  	_ =	swait.ge [sflag:s19], $0x200;
	(pc) =	sbr.rel @!p1 .LBB2_5-.Ltmp4, $4  }
0x63: {  	s16 =	sadd.s32 $0xFFFFFFFF, s8;
	[sflag:s19] =	ssyncset.done $0x0  }
0x64: {  	s22 =	sadd.s32 $0x200, s0;
	s8 =	sadd.s32 $0x200, s21;
	[sflag:s19] =	ssyncadd.s32 $0xFFFFFE00  }
0x65: {  	p0 =	por $0x1, $0x1;
	s18 =	simm.s32 $0x0;
	_ =	swait.ge [sflag:s19], $0x200  }
0x66: {  	s10 =	sshrl.u32 s22, $0x3;
	s9 =	sadd.s32 $0x200, s20;
	[sflag:s19] =	ssyncset.done $0x0  }
.LBB2_6:
0x67: {  	s23 =	sadd.s32 s1, s10;
	[sflag:s19] =	ssyncadd.s32 $0xFFFFFE00;
	s18 =	sadd.s32 $0x200, s18  }
0x68: {  	[tilespmem:s18], [sflag:$0x1] =	stream.linear.gather [hbm4b:s23+s3], $0x200, $0x200038;
	[tilespmem:$0x1B380] =	vst v63  }
0x69: {  	p1 =	sne.s32 s16, $0x1;
	s16 =	sadd.s32 $0xFFFFFFFF, s16;
	s23 =	sadd.s32 s4, s10  }
0x6a: {  	[tilespmem:s9], [sflag:$0x1] =	stream.linear.gather [hbm4b:s23+s3], $0x200, $0x200038;
	[tilespmem:$0x1B380] =	vst v63  }
0x6b: {  	s10 =	sadd.s32 s5, s10  }
0x6c: {  	[tilespmem:s8], [sflag:$0x1] =	stream.linear.gather [hbm4b:s10+s3], $0x200, $0x200038;
	[tilespmem:$0x1B380] =	vst v63  }
0x6d: {  	_ =	swait.ge [sflag:s19], $0x200  }
0x6e: {  	[sflag:s19] =	ssyncset.done $0x0  }
0x6f: {  	[sflag:s19] =	ssyncadd.s32 $0xFFFFFE00  }
.Ltmp5:
0x70: {  	_ =	swait.ge [sflag:s19], $0x200;
	(pc) =	sbr.rel @p1 .LBB2_6-.Ltmp5, $4  }
0x71: {  	[sflag:s19] =	ssyncset.done $0x0  }
0x72: {  	[sflag:s19] =	ssyncadd.s32 $0xFFFFFE00  }
0x73: {  	s22 =	sadd.s32 $0x200, s22;
	s8 =	sadd.s32 $0x200, s8;
	_ =	swait.ge [sflag:s19], $0x200  }
0x74: {  	s9 =	sadd.s32 $0x200, s9;
	s10 =	sshrl.u32 s22, $0x3;
	[sflag:s19] =	ssyncset.done $0x0  }
.LBB2_7:
0x75: {  	s16 =	sadd.s32 @p0 $0x200, s18;
	s18 =	simm.s32 $0x0  }
0x76: {  	s22 =	sadd.s32 s1, s10;
	[sflag:s19] =	ssyncadd.s32 @p0 $0xFFFFFE00;
	s18 =	smov.u32 @p0 s16  }
0x77: {  	[tilespmem:s18], [sflag:$0x1] =	stream.linear.gather [hbm4b:s22+s3], $0x200, $0x200038;
	[tilespmem:$0x1B380] =	vst v63  }
0x78: {  	s28 =	sadd.s32 s4, s10  }
0x79: {  	[tilespmem:s9], [sflag:$0x1] =	stream.linear.gather [hbm4b:s28+s3], $0x200, $0x200038;
	[tilespmem:$0x1B380] =	vst v63  }
0x7a: {  	s31 =	sadd.s32 s5, s10  }
0x7b: {  	[tilespmem:s8], [sflag:$0x1] =	stream.linear.gather [hbm4b:s31+s3], $0x200, $0x200038;
	[tilespmem:$0x1B380] =	vst v63  }
0x7c: {  	_ =	swait.ge [sflag:s19], $0x200  }
0x7d: {  	[sflag:s19] =	ssyncset.done $0x0  }
0x7e: {  	[sflag:s19] =	ssyncadd.s32 $0xFFFFFE00  }
0x7f: {  	_ =	swait.ge [sflag:s19], $0x200  }
0x80: {  	[sflag:s19] =	ssyncset.done $0x0  }
0x81: {  	[sflag:s19] =	ssyncadd.s32 $0xFFFFFE00  }
0x82: {  	_ =	swait.ge [sflag:s19], $0x200  }
0x83: {  	[sflag:s19] =	ssyncset.done $0x0  }
0x84: {  	[sflag:s19] =	ssyncadd.s32 $0xFFFFFE00  }
.LBB2_8:
0x85: {  	p0 =	sne.s32 s6, s30;
	s6 =	simm.s32 $0x1  }
0x86: {  	s8 =	sshra.s32 s2, $0x1F;
	s6 =	simm.s32 @!p0 $0x0  }
0x87: {  	s9 =	sand.u32 $0xF, s2;
	s6 =	sor.u32 s6, s8  }
0x88: {  	p1 =	sne.s32 s9, $0x0;
	p6 =	sne.s32 s6, $0x1  }
0x89: {  	s28 =	sshrl.u32 s8, $0x1C;
	p0 =	por !p1, !p6  }
0x8a: {  	s31 =	sadd.s32 s28, s2;
	s6 =	simm.s32 $0x1;
	p0 =	por !p0, !p0  }
0x8b: {  	s9 =	sshra.s32 s31, $0x4;
	s6 =	simm.s32 @!p0 $0x0  }
0x8c: {  	s2 =	ssub.s32 s9, s6  }
0x8d: {  	p1 =	slt.s32 s2, $0x0  }
.Ltmp6:
0x8e: {  	_ = 	snop;
	(pc) =	sbr.rel @p1 .LBB2_12-.Ltmp6, $3  }
0x8f: {  	_ =	sdelay $0x1  }
0x90: {  	_ =	strace $0x90000049  }
0x91: {  	_ =	strace $0x8000004A  }
0x92: {  	s2 =	simm.s32 $0x0  }
0x93: {  	s6 =	simm.s32 $0x2280;
	v3 =	vld [tilespmem:s2+$0x0]  }
0x94: {  	s8 =	simm.s32 $0x4500;
	v4 =	vld [tilespmem:s6+$0x0]  }
0x95: {  	v5 =	vld [tilespmem:s8+$0x0]  }
0x96: {  	s10 =	simm.s32 $0xFFFFFFFF  }
0x97: {  	s10 =	simm.s32 @!p0 $0x0  }
0x98: {  	s9 =	sadd.s32 s10, s9;
	v6 =	vshrl.u32 v3, $0x10  }
0x99: {  	s10 =	sadd.s32 $0x1, s9;
	v7 =	vmul.f32 v3, v3;
	v9 =	vmul.f32 v4, v4;
	v6 =	vand.u32 $0x1, v6  }
0x9a: {  	p0 =	sne.s32 s10, $0x1;
	v8 =	vshrl.u32 v4, $0x10;
	v63 =	vshrl.u32 v5, $0x10;
	v3 =	vadd.s32 v6, v3  }
.Ltmp7:
0x9b: {  	v6 =	vand.u32 $0x1, v8;
	v8 =	vand.u32 $0x1, v63;
	v7 =	vadd.f32 v9, v7;
	(pc) =	sbr.rel @!p0 .LBB2_11-.Ltmp7, $4  }
0x9c: {  	v3 =	vadd.s32 $0x7FFF, v3;
	v4 =	vadd.s32 v6, v4;
	v6 =	vmul.f32 v5, v5  }
0x9d: {  	s18 =	simm.s32 $0x6780;
	s22 =	simm.s32 $0x8A00;
	s16 =	simm.s32 $0xAC80;
	v5 =	vadd.s32 v8, v5;
	v3 =	vand.u32 $0xFFFF0000, v3;
	v4 =	vadd.s32 $0x7FFF, v4  }
0x9e: {  	s23 =	simm.s32 $0x8A10;
	s24 =	simm.s32 $0xAC90;
	s9 =	simm.s32 $0xCF00;
	[tilespmem:s18+$0x0] =	vst v3;
	v3 =	vand.u32 $0xFFFF0000, v4;
	v4 =	vadd.s32 $0x7FFF, v5  }
0x9f: {  	s10 =	sadd.s32 $0xFFFFFFFF, s10;
	s18 =	simm.s32 $0xCF10;
	[tilespmem:s22+$0x0] =	vst v3;
	v4 =	vand.u32 $0xFFFF0000, v4;
	v3 =	vadd.f32 v6, v7;
	s22 =	simm.s32 $0x6790  }
.LBB2_10:
0xa0: {  	[tilespmem:s16+$0x0] =	vst v4;
	s2 =	sadd.s32 $0x10, s2;
	s6 =	sadd.s32 $0x10, s6;
	s8 =	sadd.s32 $0x10, s8  }
0xa1: {  	p0 =	sne.s32 s10, $0x1;
	s10 =	sadd.s32 $0xFFFFFFFF, s10;
	[tilespmem:s9+$0x0] =	vst v3;
	s9 =	smov.u32 s18  }
0xa2: {  	s16 =	smov.u32 s24;
	v3 =	vld [tilespmem:s2+$0x0]  }
0xa3: {  	v4 =	vld [tilespmem:s6+$0x0]  }
0xa4: {  	v5 =	vld [tilespmem:s8+$0x0];
	_ =	sdelay $0x2  }
0xa5: {  	v6 =	vshrl.u32 v3, $0x10;
	v7 =	vmul.f32 v3, v3  }
0xa6: {  	v6 =	vand.u32 $0x1, v6;
	v8 =	vshrl.u32 v4, $0x10;
	v9 =	vmul.f32 v4, v4  }
0xa7: {  	v3 =	vadd.s32 v6, v3;
	v6 =	vand.u32 $0x1, v8;
	v8 =	vshrl.u32 v5, $0x10  }
.Ltmp8:
0xa8: {  	v3 =	vadd.s32 $0x7FFF, v3;
	v4 =	vadd.s32 v6, v4;
	v6 =	vmul.f32 v5, v5;
	(pc) =	sbr.rel @p0 .LBB2_10-.Ltmp8, $4  }
0xa9: {  	v8 =	vand.u32 $0x1, v8;
	v3 =	vand.u32 $0xFFFF0000, v3;
	v4 =	vadd.s32 $0x7FFF, v4  }
0xaa: {  	[tilespmem:s22+$0x0] =	vst v3;
	v3 =	vand.u32 $0xFFFF0000, v4;
	v4 =	vadd.s32 v8, v5;
	v5 =	vadd.f32 v9, v7  }
0xab: {  	s18 =	sadd.s32 $0x10, s18;
	[tilespmem:s23+$0x0] =	vst v3;
	v3 =	vadd.s32 $0x7FFF, v4  }
0xac: {  	s24 =	sadd.s32 $0x10, s24;
	s22 =	sadd.s32 $0x10, s22;
	s23 =	sadd.s32 $0x10, s23;
	v4 =	vand.u32 $0xFFFF0000, v3;
	v3 =	vadd.f32 v6, v5  }
.LBB2_11:
0xad: {  	[tilespmem:s16+$0x0] =	vst v4  }
0xae: {  	[tilespmem:s9+$0x0] =	vst v3  }
.LBB2_12:
0xaf: {  	s0 =	sshll.u32 s0, $0x2  }
.Ltmp9:
0xb0: {  	s0 =	sand.u32 $0xFFFFFFE0, s0;
	(pc) =	sbr.rel .LBB2_13-.Ltmp9, $4  }
0xb1: {  	s0 =	ssub.s32 $0x0, s0  }
0xb2: {  	_ =	strace $0x9000004A;
	s6 =	sshra.s32 s0, $0x2  }
0xb3: {  	s18 =	simm.s32 $0x0;
	_ =	strace $0x8000004B;
	s31 =	sadd.s32 $0x6790, s6  }
0xb4: {  	v3 =	vmov s30;
	s0 =	sadd.s32 $0x8A10, s6;
	s2 =	sadd.s32 $0xAC90, s6;
	s16 =	sadd.s32 $0xCF10, s6  }
.LBB2_15:
0xb5: {  	v30 =	vmov v7;
	v39 =	vmov v4;
	v43 =	vimm.f32 $9.999999840e+17  }
0xb6: {  	v44 =	vmovc v4;
	v46 =	vimm.f32 $9.999999840e+17;
	v47 =	vmovc v5;
	v48 =	vimm.f32 $9.999999840e+17;
	v45 =	vmov v5  }
.LBB2_24:
0xb7: {  	(xrf1) =	vsort.ascd.msk.f32 $0xffff, v42, v30  }
0xb8: {  	(xrf1) =	vsort.ascd.msk.f32 $0xffff, v41, v35  }
0xb9: {  	(xrf1) =	vsort.ascd.msk.f32 @p1 $0xffff, v51, v12;
	v12 =	vperm.xlane @p1 v34, v2;
	_ =	sdelay $0x1  }
0xba: {  	vm4 =	vle.f32 @p1 v43, v50  }
0xbb: {  	v17 =	vsel @p1 vm4, v43, v50  }
0xbc: {  	v18 =	vsel @p1 vm3, v39, v49;
	vm3 =	vle.f32 @p1 v40, v17;
	v19 =	vsel @p1 vm4, v44, v12;
	v12, v14, _ =	vpop @p2 (xrf1)  }
0xbd: {  	v20 =	vsel @p1 vm3, v40, v17;
	v21 =	vsel @p1 vm3, v18, v19;
	v22, v23, _ =	vpop @p2 (xrf1)  }
0xbe: {  	(xrf1) =	vsort.ascd.msk.f32 @p1 $0xffff, v20, v21;
	v20 =	vperm.xlane @p2 v12, v2;
	v21 =	vperm.xlane @p2 v22, v2;
	_ =	sdelay $0x1  }
0xbf: {  	vm4 =	vle.f32 @p2 v46, v20;
	vm5 =	vle.f32 @p2 v48, v21  }
0xc0: {  	v18 =	vsel @p1 vm3, v19, v18;
	v20 =	vsel @p2 vm4, v46, v20;
	v21 =	vsel @p2 vm5, v48, v21  }
0xc1: {  	v17 =	vsel @p1 vm3, v17, v40;
	v41, v42, _ =	vpop (xrf1);
	vm3 =	vle.f32 @p2 v20, v21  }
0xc2: {  	v22 =	vperm.xlane @p2 v14, v2;
	v23 =	vperm.xlane @p2 v23, v2;
	v19, v32, _ =	vpop @p0 (xrf1);
	v35 =	vsel @p2 vm3, v20, v21  }
0xc3: {  	(xrf1) =	vsort.ascd.msk.f32 @p1 $0xffff, v17, v18;
	v33, v34, _ =	vpop @p0 (xrf1)  }
0xc4: {  	v22 =	vsel @p2 vm4, v47, v22;
	v23 =	vsel @p2 vm5, v45, v23;
	v17, v18, _ =	vpop (xrf1)  }
0xc5: {  	v16 =	vperm.xlane @p1 v16, v2;
	v36 =	vsel @p2 vm3, v22, v23;
	v37, v38, _ =	vpop (xrf1)  }
0xc6: {  	v13 =	vperm.xlane @p1 v13, v2;
	v20 =	vsel @p2 vm3, v21, v20;
	(xrf1) =	vsort.ascd.msk.f32 @p2 $0xffff, v35, v36;
	v21, v35, _ =	vpop @p1 (xrf1)  }
0xc7: {  	v22 =	vsel @p2 vm3, v23, v22;
	vm3 =	vle.f32 @p1 v21, v16  }
0xc8: {  	(xrf1) =	vsort.ascd.msk.f32 @p2 $0xffff, v20, v22;
	v20 =	vsel @p1 vm3, v13, v35;
	v22 =	vsel @p1 vm3, v16, v21  }
0xc9: {  	v13 =	vsel @p1 vm3, v35, v13;
	v16 =	vsel @p1 vm3, v21, v16;
	(xrf1) =	vsort.ascd.msk.f32 @p1 $0xffff, v22, v20  }
0xca: {  	v43 =	vperm.xlane v37, v2;
	(xrf1) =	vsort.ascd.msk.f32 @p1 $0xffff, v16, v13  }
0xcb: {  	vm2 =	vmmov @p0 vm2;
	v44 =	vperm.xlane v38, v2  }
0xcc: {  	vm4 =	vle.f32 @p0 v15, $2.500000000e+01;
	v19 =	vperm.xlane @p0 v19, v2;
	vm15 =	vle.f32 v17, v43  }
0xcd: {  	v45 =	vsel vm15, v18, v44;
	v46 =	vsel vm15, v43, v17;
	v17 =	vsel vm15, v17, v43  }
0xce: {  	vm2 =	vmand @p0 vm2, vm4;
	v13 =	vsel vm15, v44, v18;
	v16, v21, _ =	vpop @p1 (xrf1);
	(xrf1) =	vsort.ascd.msk.f32 $0xffff, v17, v45  }
0xcf: {  	v7 =	vpsel p0, v8, v7;
	v19 =	vpsel p0, v19, v29;
	(xrf1) =	vsort.ascd.msk.f32 $0xffff, v46, v13;
	v13 =	vnsel @p0 vm2, $0x5D5E0B6B, v15  }
0xd0: {  	v22 =	vperm.xlane @p0 v33, v2;
	v20 =	vpsel p0, v32, v26;
	v13 =	vpsel p0, v13, v31  }
0xd1: {  	v17 =	vperm.xlane @p0 v34, v2;
	v16 =	vpsel p1, v16, v6;
	v15 =	vmov @p0 v25;
	v8, v18, _ =	vpop @p1 (xrf1);
	(xrf1) =	vsort.ascd.msk.f32 @p0 $0xffff, v13, v7  }
0xd2: {  	v20 =	vperm.xlane @p0 v20, v2;
	vm3 =	vle.f32 @p0 v16, v22;
	v10 =	vpsel p0, v15, v10  }
0xd3: {  	v15 =	vpsel p1, v21, v4;
	v17 =	vpsel p0, v17, v28;
	v8 =	vpsel p1, v8, v6  }
0xd4: {  	v21 =	vmovc @p0 v24;
	v18 =	vpsel p1, v18, v4;
	v16 =	vsel @p0 vm3, v16, v22;
	vm1 =	vmmov @p0 vm3  }
0xd5: {  	v9 =	vpsel p0, v21, v9;
	v10 =	vperm.xlane @p0 v10, v2;
	vm2 =	vle.f32 @p0 v8, v19;
	v7, v13, _ =	vpop @p2 (xrf1)  }
0xd6: {  	v16 =	vpsel p0, v16, v27;
	v15 =	vsel @p0 vm1, v15, v17;
	v8 =	vsel @p0 vm2, v8, v19;
	v22, v23, _ =	vpop @p2 (xrf1)  }
0xd7: {  	v18 =	vsel @p0 vm2, v18, v20;
	v21 =	vpsel p2, v22, v6;
	v22 =	vpsel p2, v23, v5;
	v23, v24, _ =	vpop @p1 (xrf1)  }
0xd8: {  	vm1 =	vle.f32 @p0 v16, v8;
	v17 =	vperm.xlane @p1 v23, v2;
	v19 =	vperm.xlane @p1 v24, v2;
	v23, v24, _ =	vpop @p1 (xrf1)  }
0xd9: {  	v20 =	vsel @p0 vm1, v16, v8;
	v25 =	vsel @p0 vm1, v15, v18;
	v23 =	vperm.xlane @p1 v23, v2  }
0xda: {  	v8 =	vsel @p0 vm1, v8, v16;
	v15 =	vsel @p0 vm1, v18, v15;
	(xrf1) =	vsort.ascd.msk.f32 @p0 $0xffff, v20, v25  }
0xdb: {  	v7 =	vpsel p2, v7, v6;
	(xrf1) =	vsort.ascd.msk.f32 @p0 $0xffff, v8, v15;
	vm2 =	vle.f32 @p1 v21, v23  }
0xdc: {  	v24 =	vperm.xlane @p1 v24, v2;
	vm1 =	vle.f32 @p1 v7, v17;
	v8 =	vsel @p1 vm2, v21, v23  }
0xdd: {  	v9 =	vperm.xlane @p0 v9, v2;
	v13 =	vpsel p2, v13, v5;
	v48, v47, _ =	vpop (xrf1);
	v7 =	vsel @p1 vm1, v7, v17  }
0xde: {  	v49, v50, _ =	vpop (xrf1);
	v13 =	vsel @p1 vm1, v13, v19;
	v17 =	vsel @p1 vm2, v22, v24;
	vm1 =	vle.f32 @p1 v7, v8  }
0xdf: {  	v20 =	vsel @p1 vm1, v7, v8;
	v21 =	vsel @p1 vm1, v13, v17;
	v7 =	vsel @p1 vm1, v8, v7;
	v8, v22, _ =	vpop @p0 (xrf1)  }
0xe0: {  	v13 =	vsel @p1 vm1, v17, v13;
	(xrf1) =	vsort.ascd.msk.f32 @p1 $0xffff, v20, v21;
	vm1 =	vle.f32 @p0 v8, v9  }
0xe1: {  	(xrf1) =	vsort.ascd.msk.f32 @p1 $0xffff, v7, v13;
	v7 =	vsel @p0 vm1, v10, v22;
	v13 =	vsel @p0 vm1, v9, v8  }
0xe2: {  	v8 =	vsel @p0 vm1, v8, v9;
	(xrf1) =	vsort.ascd.msk.f32 @p0 $0xffff, v13, v7;
	v7 =	vsel @p0 vm1, v22, v10  }
0xe3: {  	(xrf1) =	vsort.ascd.msk.f32 @p0 $0xffff, v8, v7;
	_ =	sdelay $0x1  }
0xe4: {  	vm0 =	vmmov vm0  }
0xe5: {  	vm0 =	vmmov vm0;
	vm4 =	vle.f32 v11, $2.500000000e+01  }
0xe6: {  	vm0 =	vmand vm0, vm4  }
0xe7: {  	v10 =	vnsel vm0, $0x5D5E0B6B, v11;
	_ =	sdelay $0x1  }
0xe8: {  	v7, v8, _ =	vpop @p0 (xrf1);
	(xrf1) =	vsort.ascd.msk.f32 $0xffff, v10, v30  }
0xe9: {  	v15 =	vperm.xlane v48, v2;
	v9 =	vperm.xlane v49, v2;
	v10, v11, _ =	vpop @p0 (xrf1)  }
0xea: {  	v14 =	vperm.xlane v42, v2;
	v7 =	vpsel p0, v7, v6;
	v10 =	vpsel p0, v10, v6  }
0xeb: {  	v16 =	vperm.xlane v47, v2;
	vm5 =	vle.f32 v7, v9;
	vm6 =	vle.f32 v10, v15  }
0xec: {  	v7 =	vsel vm5, v7, v9;
	v9 =	vperm.xlane v50, v2;
	v10 =	vsel vm6, v10, v15;
	v13, v17, _ =	vpop @p1 (xrf1)  }
0xed: {  	v8 =	vpsel p0, v8, v4;
	v11 =	vpsel p0, v11, v4;
	vm7 =	vle.f32 v7, v10;
	v18, v19, _ =	vpop @p1 (xrf1)  }
0xee: {  	v11 =	vsel vm6, v11, v16;
	v8 =	vsel vm5, v8, v9;
	v51 =	vsel vm7, v7, v10;
	v20, v21, _ =	vpop @p0 (xrf1)  }
0xef: {  	v52 =	vsel vm7, v8, v11;
	v9 =	vperm.xlane @p0 v20, v2;
	v15 =	vperm.xlane @p0 v21, v2;
	v20, v21, _ =	vpop @p0 (xrf1)  }
0xf0: {  	v7 =	vsel vm7, v10, v7;
	v8 =	vsel vm7, v11, v8;
	v20 =	vperm.xlane @p0 v20, v2  }
0xf1: {  	(xrf1) =	vsort.ascd.msk.f32 $0xffff, v51, v52;
	v13 =	vpsel p1, v13, v6;
	v18 =	vpsel p1, v18, v6  }
0xf2: {  	(xrf1) =	vsort.ascd.msk.f32 $0xffff, v7, v8;
	vm0 =	vle.f32 @p0 v13, v9;
	vm1 =	vle.f32 @p0 v18, v20  }
0xf3: {  	v21 =	vperm.xlane @p0 v21, v2;
	v8 =	vsel @p0 vm0, v13, v9;
	v9 =	vsel @p0 vm1, v18, v20  }
0xf4: {  	v10 =	vperm.xlane v41, v2;
	v17 =	vpsel p1, v17, v5;
	v19 =	vpsel p1, v19, v5  }
0xf5: {  	v7 =	vsel @p0 vm0, v17, v15;
	v11 =	vsel @p0 vm1, v19, v21;
	vm0 =	vle.f32 @p0 v8, v9  }
0xf6: {  	v12 =	vsel @p0 vm0, v8, v9;
	v8 =	vsel @p0 vm0, v9, v8;
	v15 =	vsel @p0 vm0, v7, v11;
	v9, v53, _ =	vpop (xrf1)  }
0xf7: {  	v7 =	vsel @p0 vm0, v11, v7;
	(xrf1) =	vsort.ascd.msk.f32 @p0 $0xffff, v12, v15;
	vm8 =	vle.f32 v9, v10  }
0xf8: {  	(xrf1) =	vsort.ascd.msk.f32 @p0 $0xffff, v8, v7;
	v11 =	vsel vm8, v14, v53;
	v7 =	vsel vm8, v10, v9  }
0xf9: {  	v8 =	vsel vm8, v53, v14;
	(xrf1) =	vsort.ascd.msk.f32 $0xffff, v7, v11;
	v7 =	vsel vm8, v9, v10  }
0xfa: {  	(xrf1) =	vsort.ascd.msk.f32 $0xffff, v7, v8;
	_ =	sdelay $0x8  }
0xfb: {  	v7, v9, _ =	vpop (xrf1)  }
0xfc: {  	v8, v10, _ =	vpop (xrf1)  }
0xfd: {  	v11, v12, _ =	vpop @p0 (xrf1)  }
0xfe: {  	v13, v14, _ =	vpop @p0 (xrf1)  }
0xff: {  	v55, v54, _ =	vpop (xrf1)  }
0x100: {  	v56, v57, _ =	vpop (xrf1)  }
0x101: {  	v11 =	vpsel p0, v11, v6;
	v15 =	vperm.xlane v55, v2;
	v17 =	vperm.xlane v56, v2  }
0x102: {  	v12 =	vpsel p0, v12, v5;
	v6 =	vpsel p0, v13, v6;
	v58 =	vperm.xlane v54, v2  }
0x103: {  	v59 =	vperm.xlane v57, v2;
	vm9 =	vle.f32 v11, v15;
	vm10 =	vle.f32 v6, v17  }
0x104: {  	v14 =	vpsel p0, v14, v5;
	v11 =	vsel vm9, v11, v15;
	v6 =	vsel vm10, v6, v17  }
0x105: {  	v12 =	vsel vm9, v12, v58;
	v60 =	vsel vm10, v14, v59;
	vm11 =	vle.f32 v11, v6  }
0x106: {  	v61 =	vsel vm11, v11, v6;
	v62 =	vsel vm11, v12, v60  }
0x107: {  	v6 =	vsel vm11, v6, v11;
	v11 =	vsel vm11, v60, v12;
	(xrf1) =	vsort.ascd.msk.f32 $0xffff, v61, v62  }
0x108: {  	(xrf1) =	vsort.ascd.msk.f32 $0xffff, v6, v11;
	_ =	sdelay $0xc  }
0x109: {  	v6, v11, _ =	vpop (xrf1)  }
0x10a: {  	vm14 =	vlt.f32 v7, $4.999999920e+17;
	vm12 =	vlt.f32 v6, $4.999999920e+17;
	v6, v63, _ =	vpop (xrf1)  }
0x10b: {  	vm15 =	vlt.f32 v8, $4.999999920e+17;
	v7 =	vsel vm14, v9, v4;
	vm13 =	vlt.f32 v6, $4.999999920e+17  }
0x10c: {  	v11 =	vsel vm12, v11, v5;
	v6 =	vsel vm15, v10, v4;
	v8 =	vsel vm13, v63, v5  }
.LBB2_25:
0x10d: {  	v9 =	vsub.s32 v11, v3;
	_ =	sdelay $0x2  }
0x10e: {  	v10 =	vld.msk [tilespmem:s23+$0x0 ss:$0x0], $0xffff  }
0x10f: {  	v12 =	vld.msk [tilespmem:s23+$0x2280 ss:$0x0], $0xffff  }
0x110: {  	v13 =	vld.idx.msk [tilespmem:v9+s3+$0x0], $0xffff  }
0x111: {  	v14 =	vld.idx.msk [tilespmem:v9+s20+$0x0], $0xffff  }
0x112: {  	v15 =	vld.msk [tilespmem:s23+$0x4500 ss:$0x0], $0xffff  }
0x113: {  	v9 =	vld.idx.msk [tilespmem:v9+s21+$0x0], $0xffff;
	_ =	sdelay $0x2  }
0x114: {  	v13 =	vsub.f32 v13, v10;
	v14 =	vsub.f32 v14, v12;
	_ =	sdelay $0x1  }
0x115: {  	v9 =	vsub.f32 v9, v15;
	v16 =	vmul.f32 v13, v13;
	v17 =	vmul.f32 v14, v14;
	_ =	sdelay $0x1  }
0x116: {  	v35 =	vmul.f32 v9, v9;
	v16 =	vadd.f32 v17, v16;
	_ =	sdelay $0x1  }
0x117: {  	v16 =	vadd.f32 v35, v16;
	_ =	sdelay $0x1  }
0x118: {  	v17 =	vshrl.u32 v16, $0x1  }
0x119: {  	v17 =	vadd.s32 $0x1FBD1DF5, v17  }
0x11a: {  	(erf) = vrcp.f32 v17;
	_ =	sdelay $0x8  }
0x11b: {  	v18 =	vpop (erf)  }
0x11c: {  	v18 =	vmul.f32 v18, v16;
	_ =	sdelay $0x1  }
0x11d: {  	v17 =	vadd.f32 v17, v18;
	_ =	sdelay $0x1  }
0x11e: {  	v17 =	vmul.f32 $5.000000000e-01, v17;
	_ =	sdelay $0x1  }
0x11f: {  	(erf) = vrcp.f32 v17;
	_ =	sdelay $0x8  }
0x120: {  	v36 =	vpop (erf)  }
0x121: {  	v18 =	vmul.f32 v36, v16;
	_ =	sdelay $0x1  }
0x122: {  	v17 =	vadd.f32 v18, v17;
	_ =	sdelay $0x1  }
0x123: {  	v17 =	vmul.f32 $5.000000000e-01, v17;
	_ =	sdelay $0x1  }
0x124: {  	(erf) = vrcp.f32 v17;
	_ =	sdelay $0x8  }
0x125: {  	v37 =	vpop (erf)  }
0x126: {  	v18 =	vmul.f32 v37, v16  }
0x127: {  	s6 =	sshll.u32 s18, $0x6  }
0x128: {  	[tilespmem:s6+$0xF380] =	vst v11;
	v17 =	vadd.f32 v18, v17  }
0x129: {  	v39 =	vsub.s32 v8, v3;
	[tilespmem:s6+$0x11380] =	vst v5  }
0x12a: {  	[tilespmem:s6+$0x15380] =	vst v13;
	v17 =	vmul.f32 $5.000000000e-01, v17  }
0x12b: {  	[tilespmem:s6+$0x17380] =	vst v14;
	vm0 =	vgt.f32 v16, $0.0e+00  }
0x12c: {  	[tilespmem:s6+$0x19380] =	vst v9;
	v38 =	vnsel vm0, $0x0, v17  }
0x12d: {  	[tilespmem:s6+$0x13380] =	vst v38  }
0x12e: {  	v9 =	vld.idx.msk [tilespmem:v39+s3+$0x0], $0xffff  }
0x12f: {  	v11 =	vld.idx.msk [tilespmem:v39+s20+$0x0], $0xffff;
	_ =	sdelay $0x1  }
0x130: {  	v13 =	vld.idx.msk [tilespmem:v39+s21+$0x0], $0xffff;
	_ =	sdelay $0x2  }
0x131: {  	v9 =	vsub.f32 v9, v10;
	v40 =	vsub.f32 v11, v12;
	_ =	sdelay $0x1  }
0x132: {  	v41 =	vsub.f32 v13, v15;
	v42 =	vmul.f32 v9, v9;
	v43 =	vmul.f32 v40, v40;
	_ =	sdelay $0x1  }
0x133: {  	v44 =	vmul.f32 v41, v41;
	v12 =	vadd.f32 v43, v42;
	_ =	sdelay $0x1  }
0x134: {  	v12 =	vadd.f32 v44, v12;
	_ =	sdelay $0x1  }
0x135: {  	v13 =	vshrl.u32 v12, $0x1  }
0x136: {  	v13 =	vadd.s32 $0x1FBD1DF5, v13  }
0x137: {  	(erf) = vrcp.f32 v13;
	_ =	sdelay $0x8  }
0x138: {  	v45 =	vpop (erf)  }
0x139: {  	v14 =	vmul.f32 v45, v12;
	_ =	sdelay $0x1  }
0x13a: {  	v13 =	vadd.f32 v13, v14;
	_ =	sdelay $0x1  }
0x13b: {  	v13 =	vmul.f32 $5.000000000e-01, v13;
	_ =	sdelay $0x1  }
0x13c: {  	(erf) = vrcp.f32 v13;
	_ =	sdelay $0x8  }
0x13d: {  	v46 =	vpop (erf)  }
0x13e: {  	v14 =	vmul.f32 v46, v12;
	_ =	sdelay $0x1  }
0x13f: {  	v13 =	vadd.f32 v14, v13;
	_ =	sdelay $0x1  }
0x140: {  	v13 =	vmul.f32 $5.000000000e-01, v13;
	_ =	sdelay $0x1  }
0x141: {  	(erf) = vrcp.f32 v13;
	_ =	sdelay $0x8  }
0x142: {  	v47 =	vpop (erf)  }
0x143: {  	v14 =	vmul.f32 v47, v12;
	_ =	sdelay $0x1  }
0x144: {  	v13 =	vadd.f32 v14, v13;
	_ =	sdelay $0x1  }
0x145: {  	[tilespmem:s6+$0xF390] =	vst v8;
	v13 =	vmul.f32 $5.000000000e-01, v13  }
0x146: {  	[tilespmem:s6+$0x11390] =	vst v5;
	vm13 =	vgt.f32 v12, $0.0e+00  }
0x147: {  	[tilespmem:s6+$0x15390] =	vst v9;
	v5 =	vnsel vm13, $0x0, v13  }
0x148: {  	[tilespmem:s6+$0x13390] =	vst v5;
	v5 =	vsub.s32 v7, v3  }
0x149: {  	[tilespmem:s6+$0x17390] =	vst v40  }
0x14a: {  	[tilespmem:s6+$0x19390] =	vst v41  }
0x14b: {  	v8 =	vld.msk [tilespmem:s22+$0x0 ss:$0x0], $0xffff  }
0x14c: {  	v9 =	vld.msk [tilespmem:s22+$0x2280 ss:$0x0], $0xffff  }
0x14d: {  	v10 =	vld.idx.msk [tilespmem:v5+s3+$0x0], $0xffff  }
0x14e: {  	v11 =	vld.idx.msk [tilespmem:v5+s20+$0x0], $0xffff  }
0x14f: {  	v48 =	vld.msk [tilespmem:s22+$0x4500 ss:$0x0], $0xffff  }
0x150: {  	v5 =	vld.idx.msk [tilespmem:v5+s21+$0x0], $0xffff;
	_ =	sdelay $0x2  }
0x151: {  	v10 =	vsub.f32 v10, v8;
	v11 =	vsub.f32 v11, v9;
	_ =	sdelay $0x1  }
0x152: {  	v5 =	vsub.f32 v5, v48;
	v49 =	vmul.f32 v10, v10;
	v50 =	vmul.f32 v11, v11;
	_ =	sdelay $0x1  }
0x153: {  	v51 =	vmul.f32 v5, v5;
	v13 =	vadd.f32 v50, v49;
	_ =	sdelay $0x1  }
0x154: {  	v13 =	vadd.f32 v51, v13;
	_ =	sdelay $0x1  }
0x155: {  	v14 =	vshrl.u32 v13, $0x1  }
0x156: {  	v14 =	vadd.s32 $0x1FBD1DF5, v14  }
0x157: {  	(erf) = vrcp.f32 v14;
	_ =	sdelay $0x8  }
0x158: {  	v52 =	vpop (erf)  }
0x159: {  	v15 =	vmul.f32 v52, v13;
	_ =	sdelay $0x1  }
0x15a: {  	v14 =	vadd.f32 v14, v15;
	_ =	sdelay $0x1  }
0x15b: {  	v14 =	vmul.f32 $5.000000000e-01, v14;
	_ =	sdelay $0x1  }
0x15c: {  	(erf) = vrcp.f32 v14;
	_ =	sdelay $0x8  }
0x15d: {  	v53 =	vpop (erf)  }
0x15e: {  	v15 =	vmul.f32 v53, v13;
	_ =	sdelay $0x1  }
0x15f: {  	v14 =	vadd.f32 v15, v14;
	_ =	sdelay $0x1  }
0x160: {  	v14 =	vmul.f32 $5.000000000e-01, v14;
	_ =	sdelay $0x1  }
0x161: {  	(erf) = vrcp.f32 v14;
	_ =	sdelay $0x8  }
0x162: {  	v54 =	vpop (erf)  }
0x163: {  	v15 =	vmul.f32 v54, v13;
	_ =	sdelay $0x1  }
0x164: {  	[tilespmem:s6+$0xF3A0] =	vst v7;
	v14 =	vadd.f32 v15, v14  }
0x165: {  	v56 =	vsub.s32 v6, v3;
	[tilespmem:s6+$0x113A0] =	vst v4  }
0x166: {  	[tilespmem:s6+$0x153A0] =	vst v10;
	v14 =	vmul.f32 $5.000000000e-01, v14  }
0x167: {  	[tilespmem:s6+$0x173A0] =	vst v11;
	vm14 =	vgt.f32 v13, $0.0e+00  }
0x168: {  	[tilespmem:s6+$0x193A0] =	vst v5;
	v55 =	vnsel vm14, $0x0, v14  }
0x169: {  	[tilespmem:s6+$0x133A0] =	vst v55  }
0x16a: {  	v5 =	vld.idx.msk [tilespmem:v56+s3+$0x0], $0xffff  }
0x16b: {  	v7 =	vld.idx.msk [tilespmem:v56+s20+$0x0], $0xffff;
	_ =	sdelay $0x1  }
0x16c: {  	v10 =	vld.idx.msk [tilespmem:v56+s21+$0x0], $0xffff;
	_ =	sdelay $0x2  }
0x16d: {  	v5 =	vsub.f32 v5, v8;
	v7 =	vsub.f32 v7, v9;
	_ =	sdelay $0x1  }
0x16e: {  	v57 =	vsub.f32 v10, v48;
	v58 =	vmul.f32 v5, v5;
	v59 =	vmul.f32 v7, v7;
	_ =	sdelay $0x1  }
0x16f: {  	v60 =	vmul.f32 v57, v57;
	v9 =	vadd.f32 v59, v58;
	_ =	sdelay $0x1  }
0x170: {  	v9 =	vadd.f32 v60, v9;
	_ =	sdelay $0x1  }
0x171: {  	v10 =	vshrl.u32 v9, $0x1  }
0x172: {  	v10 =	vadd.s32 $0x1FBD1DF5, v10  }
0x173: {  	(erf) = vrcp.f32 v10;
	_ =	sdelay $0x8  }
0x174: {  	v61 =	vpop (erf)  }
0x175: {  	v11 =	vmul.f32 v61, v9;
	_ =	sdelay $0x1  }
0x176: {  	v10 =	vadd.f32 v10, v11;
	_ =	sdelay $0x1  }
0x177: {  	v10 =	vmul.f32 $5.000000000e-01, v10;
	_ =	sdelay $0x1  }
0x178: {  	(erf) = vrcp.f32 v10;
	_ =	sdelay $0x8  }
0x179: {  	v62 =	vpop (erf)  }
0x17a: {  	v11 =	vmul.f32 v62, v9;
	_ =	sdelay $0x1  }
0x17b: {  	v10 =	vadd.f32 v11, v10;
	_ =	sdelay $0x1  }
0x17c: {  	v10 =	vmul.f32 $5.000000000e-01, v10;
	_ =	sdelay $0x1  }
0x17d: {  	(erf) = vrcp.f32 v10;
	_ =	sdelay $0x8  }
0x17e: {  	v63 =	vpop (erf)  }
0x17f: {  	v11 =	vmul.f32 v63, v9  }
0x180: {  	s18 =	sadd.s32 $0x1, s18  }
0x181: {  	p0 =	sne.s32 s18, $0x80;
	[tilespmem:s6+$0xF3B0] =	vst v6;
	v10 =	vadd.f32 v11, v10  }
.Ltmp10:
0x182: {  	[tilespmem:s6+$0x113B0] =	vst v4;
	(pc) =	sbr.rel @!p0 .LBB2_26-.Ltmp10, $4  }
0x183: {  	[tilespmem:s6+$0x153B0] =	vst v5;
	v10 =	vmul.f32 $5.000000000e-01, v10  }
0x184: {  	[tilespmem:s6+$0x173B0] =	vst v7;
	vm15 =	vgt.f32 v9, $0.0e+00  }
0x185: {  	[tilespmem:s6+$0x193B0] =	vst v57;
	v4 =	vnsel vm15, $0x0, v10  }
0x186: {  	[tilespmem:s6+$0x133B0] =	vst v4  }
.LBB2_13:
0x187: {  	s8 =	sshll.u32 s18, $0x1  }
0x188: {  	v4 =	vld [tilespmem:s8+$0xF180]  }
0x189: {  	v5 =	vld [tilespmem:s8+$0xF181];
	_ =	sdelay $0x3  }
0x18a: {  	(v2sf) =	vpush v4, $0x0  }
0x18b: {  	(v2sf) =	vpush v5, $0x0;
	_ =	sdelay $0xd  }
0x18c: {  	s6 =	spop (v2sf)  }
0x18d: {  	s9 =	spop (v2sf);
	v10 =	vld [tilespmem:s6+$0xF300]  }
0x18e: {  	v9 =	vld [tilespmem:s9+$0xF300];
	_ =	sdelay $0x3  }
0x18f: {  	(v2sf) =	vpush v10, $0x0  }
0x190: {  	(v2sf) =	vpush v9, $0x1;
	_ =	sdelay $0xd  }
0x191: {  	s6 =	spop (v2sf)  }
0x192: {  	s23 =	spop (v2sf)  }
0x193: {  	s9 =	ssub.s32 s23, s6  }
0x194: {  	s9 =	sadd.s32 $0x1F, s9  }
0x195: {  	s10 =	sand.u32 $0x1F, s9  }
0x196: {  	s22 =	sshra.s32 s9, $0x1F;
	p0 =	slt.s32 s9, $0x1;
	p1 =	sne.s32 s10, $0x0  }
0x197: {  	s24 =	sshrl.u32 s22, $0x1B;
	p0 =	por !p0, !p1  }
0x198: {  	s10 =	simm.s32 $0x1;
	s9 =	sadd.s32 s24, s9;
	p0 =	por !p0, !p0  }
0x199: {  	s26 =	sshra.s32 s9, $0x5;
	s10 =	simm.s32 @!p0 $0x0  }
0x19a: {  	s25 =	sadd.s32 s7, s8;
	s8 =	ssub.s32 s26, s10  }
0x19b: {  	p0 =	slt.s32 s8, $0x1  }
.Ltmp11:
0x19c: {  	_ = 	snop;
	(pc) =	sbr.rel @p0 .LBB2_25-.Ltmp11, $4  }
0x19d: {  	_ = 	snop  }
0x19e: {  	s28 =	sor.u32 $0x1, s25  }
0x19f: {  	v4 =	vmov s28;
	v5 =	vmov s25  }
0x1a0: {  	v7 =	vmovc v4;
	v6 =	vmov v4;
	v11 =	vmov v5;
	v8 =	vmov v5;
	s23 =	ssub.s32 s25, s30;
	s22 =	ssub.s32 s28, s30  }
0x1a1: {  	v12 =	vld.msk [tilespmem:s23+$0x6780 ss:$0x0], $0xffff  }
0x1a2: {  	v13 =	vld.msk [tilespmem:s23+$0x8A00 ss:$0x0], $0xffff  }
0x1a3: {  	v14 =	vld.msk [tilespmem:s23+$0xAC80 ss:$0x0], $0xffff  }
0x1a4: {  	v15 =	vld.msk [tilespmem:s23+$0xCF00 ss:$0x0], $0xffff  }
0x1a5: {  	v16 =	vld.msk [tilespmem:s22+$0x6780 ss:$0x0], $0xffff;
	s9 =	sshll.u32 s6, $0x2  }
0x1a6: {  	v17 =	vld.msk [tilespmem:s22+$0x8A00 ss:$0x0], $0xffff;
	s25 =	sshra.s32 s9, $0x2  }
0x1a7: {  	v18 =	vld.msk [tilespmem:s22+$0xAC80 ss:$0x0], $0xffff;
	s24 =	sadd.s32 s25, s0  }
0x1a8: {  	s9 =	sadd.s32 s25, s31;
	v7 =	vld [tilespmem:s24+$0x0]  }
0x1a9: {  	s10 =	sadd.s32 s25, s2;
	v8 =	vld [tilespmem:s9+$0xFFFFFFF0]  }
0x1aa: {  	v11 =	vld [tilespmem:s10+$0x0]  }
0x1ab: {  	v19 =	vbroadcast v10, $0x0;
	v24 =	vld [tilespmem:s24+$0xFFFFFFF0]  }
0x1ac: {  	v20 =	vbroadcast v10, $0x1;
	v21 =	vbroadcast v9, $0x0;
	v10 =	vld [tilespmem:s9+$0x0]  }
0x1ad: {  	v22 =	vbroadcast v9, $0x1;
	v35 =	vadd.s32 s6, v1;
	s26 =	sadd.s32 s25, s16;
	v9 =	vld [tilespmem:s10+$0xFFFFFFF0]  }
0x1ae: {  	v6 =	vimm.f32 $9.999999840e+17;
	vm0 =	vge.s32 v35, v19;
	vm1 =	vge.s32 v35, v21;
	v26 =	vld [tilespmem:s26+$0x0]  }
0x1af: {  	v23 =	vld.msk [tilespmem:s22+$0xCF00 ss:$0x0], $0xffff;
	vm2 =	vlt.s32 v35, v22;
	v25 =	vmul.f32 v7, v13;
	v7 =	vmul.f32 v7, v17  }
0x1b0: {  	vm1 =	vmand vm1, vm2;
	v27 =	vmul.f32 v11, v14;
	v28 =	vmul.f32 v8, v12  }
0x1b1: {  	vm2 =	vlt.s32 v35, v20;
	v29 =	vmul.f32 v24, v17;
	v8 =	vmul.f32 v8, v16  }
0x1b2: {  	vm0 =	vmand vm0, vm2;
	v11 =	vmul.f32 v11, v18;
	v30 =	vmul.f32 v10, v12  }
0x1b3: {  	v31 =	vld [tilespmem:s26+$0xFFFFFFF0];
	v32 =	vmul.f32 v9, v14;
	v63 =	vadd.f32 v26, v15;
	v10 =	vmul.f32 v10, v16  }
0x1b4: {  	v26 =	vadd.f32 v26, v23;
	v24 =	vmul.f32 v24, v13;
	v25 =	vadd.f32 v25, v30  }
0x1b5: {  	v9 =	vmul.f32 v9, v18;
	v8 =	vadd.f32 v29, v8;
	v10 =	vadd.f32 v7, v10  }
0x1b6: {  	v24 =	vadd.f32 v24, v28;
	v7 =	vadd.s32 s6, v0;
	v25 =	vadd.f32 v27, v25  }
0x1b7: {  	vm2 =	vge.s32 v7, v21;
	v8 =	vadd.f32 v9, v8;
	v10 =	vadd.f32 v11, v10  }
0x1b8: {  	vm3 =	vlt.s32 v7, v22;
	v9 =	vadd.f32 v31, v23;
	v25 =	vadd.f32 v25, v25  }
0x1b9: {  	vm4 =	vlt.s32 v7, v20;
	v24 =	vadd.f32 v32, v24;
	v10 =	vadd.f32 v10, v10  }
0x1ba: {  	vm2 =	vmand vm2, vm3;
	v8 =	vadd.f32 v8, v8;
	v11 =	vsub.f32 v63, v25  }
0x1bb: {  	vm3 =	vge.s32 v7, v19;
	v24 =	vadd.f32 v24, v24;
	v10 =	vsub.f32 v26, v10  }
0x1bc: {  	p3 =	sne.s32 s8, $0x1;
	v8 =	vsub.f32 v9, v8;
	v9 =	vadd.f32 v31, v15;
	v11 =	vmax.f32 v11, $0.0e+00  }
.Ltmp12:
0x1bd: {  	vm3 =	vmand vm3, vm4;
	v10 =	vmax.f32 v10, $0.0e+00;
	vm14 =	vle.f32 v11, $2.500000000e+01;
	(pc) =	sbr.rel @!p3 .LBB2_15-.Ltmp12, $4  }
0x1be: {  	v8 =	vmax.f32 v8, $0.0e+00;
	v9 =	vsub.f32 v9, v24;
	vm0 =	vmand vm0, vm14  }
0x1bf: {  	s8 =	sadd.s32 $0xFFFFFFFF, s8;
	vm15 =	vle.f32 v8, $2.500000000e+01;
	vm5 =	vle.f32 v10, $2.500000000e+01;
	v11 =	vnsel vm0, $0x5D5E0B6B, v11  }
0x1c0: {  	p0 =	por $0x0, $0x0;
	p1 =	por $0x0, $0x0;
	p2 =	por $0x0, $0x0;
	vm2 =	vmand vm2, vm15;
	vm1 =	vmand vm1, vm5;
	vm0 =	vmmov vm3;
	(xrf1) =	vsort.ascd.msk.f32 $0xffff, v11, v35  }
0x1c1: {  	s25 =	sadd.s32 $0x20, s6;
	s9 =	sadd.s32 $0x20, s9;
	s24 =	sadd.s32 $0x20, s24;
	v42 =	vnsel vm2, $0x5D5E0B6B, v8;
	v41 =	vnsel vm1, $0x5D5E0B6B, v10;
	v11 =	vmax.f32 v9, $0.0e+00  }
0x1c2: {  	v8 =	vld [tilespmem:s24+$0x0]  }
0x1c3: {  	v9 =	vld [tilespmem:s9+$0xFFFFFFF0]  }
0x1c4: {  	v24 =	vld [tilespmem:s9+$0x0]  }
0x1c5: {  	s10 =	sadd.s32 $0x20, s10;
	(xrf1) =	vsort.ascd.msk.f32 $0xffff, v42, v7;
	v25 =	vld [tilespmem:s24+$0xFFFFFFF0]  }
0x1c6: {  	s28 =	sadd.s32 $0x20, s26;
	v10 =	vld [tilespmem:s10+$0x0];
	(xrf1) =	vsort.ascd.msk.f32 $0xffff, v41, v35;
	v35 =	vadd.s32 s25, v1  }
0x1c7: {  	v28 =	vld [tilespmem:s28+$0x0];
	vm2 =	vge.s32 v35, v19  }
0x1c8: {  	v55 =	vld [tilespmem:s28+$0xFFFFFFF0];
	vm1 =	vge.s32 v35, v21;
	v27 =	vmul.f32 v8, v13;
	v8 =	vmul.f32 v8, v17  }
0x1c9: {  	v26 =	vld [tilespmem:s10+$0xFFFFFFF0];
	vm3 =	vlt.s32 v35, v22;
	v30 =	vmul.f32 v9, v12;
	v31 =	vmul.f32 v24, v12  }
0x1ca: {  	vm1 =	vmand vm1, vm3;
	v32 =	vmul.f32 v25, v17;
	v9 =	vmul.f32 v9, v16  }
0x1cb: {  	vm3 =	vlt.s32 v35, v20;
	v24 =	vmul.f32 v24, v16;
	v25 =	vmul.f32 v25, v13  }
0x1cc: {  	v29 =	vmul.f32 v10, v14;
	v54 =	vadd.f32 v28, v15;
	v28 =	vadd.f32 v28, v23  }
0x1cd: {  	v33 =	vmul.f32 v10, v18;
	v34 =	vadd.f32 v55, v23;
	v59 =	vadd.f32 v55, v15  }
0x1ce: {  	v53 =	vmul.f32 v26, v14;
	v10 =	vadd.f32 v27, v31;
	v24 =	vadd.f32 v8, v24  }
0x1cf: {  	v26 =	vmul.f32 v26, v18;
	v9 =	vadd.f32 v32, v9;
	v25 =	vadd.f32 v25, v30  }
0x1d0: {  	vm2 =	vmand vm2, vm3;
	v10 =	vadd.f32 v29, v10;
	v24 =	vadd.f32 v33, v24  }
0x1d1: {  	v8 =	vadd.s32 s25, v0;
	v26 =	vadd.f32 v26, v9;
	v25 =	vadd.f32 v53, v25  }
0x1d2: {  	vm3 =	vge.s32 v8, v21;
	v29 =	vadd.f32 v10, v10;
	v24 =	vadd.f32 v24, v24  }
0x1d3: {  	vm4 =	vlt.s32 v8, v22;
	v26 =	vadd.f32 v26, v26;
	v25 =	vadd.f32 v25, v25  }
0x1d4: {  	vm12 =	vge.s32 v8, v19;
	v29 =	vsub.f32 v54, v29;
	v24 =	vsub.f32 v28, v24  }
0x1d5: {  	vm5 =	vlt.s32 v8, v20;
	v26 =	vsub.f32 v34, v26;
	v25 =	vsub.f32 v59, v25;
	v9, v10, _ =	vpop (xrf1)  }
0x1d6: {  	vm3 =	vmand vm3, vm4;
	vm4 =	vmand vm12, vm5;
	v56, v57, _ =	vpop (xrf1);
	v29 =	vmax.f32 v29, $0.0e+00  }
0x1d7: {  	v24 =	vmax.f32 v24, $0.0e+00;
	v26 =	vmax.f32 v26, $0.0e+00;
	v37 =	vmax.f32 v25, $0.0e+00;
	v58, v36, _ =	vpop (xrf1)  }
0x1d8: {  	p3 =	sne.s32 s8, $0x1;
	vm13 =	vle.f32 v29, $2.500000000e+01;
	vm15 =	vle.f32 v26, $2.500000000e+01;
	v33 =	vperm.xlane v58, v2  }
.Ltmp13:
0x1d9: {  	vm6 =	vle.f32 v24, $2.500000000e+01;
	vm2 =	vmand vm2, vm13;
	v60 =	vperm.xlane v36, v2;
	(pc) =	sbr.rel @!p3 .LBB2_17-.Ltmp13, $4  }
0x1da: {  	vm3 =	vmand vm3, vm15;
	v29 =	vnsel vm2, $0x5D5E0B6B, v29;
	vm14 =	vle.f32 v56, v33  }
0x1db: {  	vm1 =	vmand vm1, vm6;
	(xrf1) =	vsort.ascd.msk.f32 $0xffff, v29, v35;
	v61 =	vsel vm14, v57, v60;
	v63 =	vsel vm14, v56, v33  }
0x1dc: {  	s6 =	sadd.s32 $0xFFFFFFFF, s8;
	s8 =	sadd.s32 $0x20, s25;
	vm2 =	vmmov vm0;
	v62 =	vsel vm14, v33, v56;
	v28 =	vsel vm14, v60, v57;
	(xrf1) =	vsort.ascd.msk.f32 $0xffff, v63, v61  }
0x1dd: {  	s9 =	sadd.s32 $0x20, s9;
	s26 =	sadd.s32 $0x20, s24;
	p0 =	por $0x1, $0x1;
	vm0 =	vmmov vm4;
	v42 =	vnsel vm3, $0x5D5E0B6B, v26;
	v41 =	vnsel vm1, $0x5D5E0B6B, v24;
	(xrf1) =	vsort.ascd.msk.f32 $0xffff, v62, v28  }
0x1de: {  	v24 =	vld [tilespmem:s26+$0x0]  }
0x1df: {  	v25 =	vld [tilespmem:s9+$0xFFFFFFF0]  }
0x1e0: {  	v27 =	vld [tilespmem:s26+$0xFFFFFFF0]  }
0x1e1: {  	s24 =	sadd.s32 $0x20, s10;
	v28 =	vld [tilespmem:s9+$0x0]  }
0x1e2: {  	(xrf1) =	vsort.ascd.msk.f32 $0xffff, v42, v8;
	v26 =	vld [tilespmem:s24+$0x0]  }
0x1e3: {  	s25 =	sadd.s32 $0x20, s28;
	vm3 =	vmmov vm2;
	vm8 =	vle.f32 v11, $2.500000000e+01;
	(xrf1) =	vsort.ascd.msk.f32 $0xffff, v41, v35;
	v35 =	vadd.s32 s8, v1;
	v29 =	vld [tilespmem:s24+$0xFFFFFFF0]  }
0x1e4: {  	v30 =	vld [tilespmem:s25+$0x0];
	vm3 =	vmand vm3, vm8;
	vm1 =	vge.s32 v35, v19  }
0x1e5: {  	v40 =	vld [tilespmem:s25+$0xFFFFFFF0];
	vm4 =	vge.s32 v35, v21;
	vm5 =	vlt.s32 v35, v22;
	v31 =	vmul.f32 v24, v13  }
0x1e6: {  	vm2 =	vlt.s32 v35, v20;
	v32 =	vmul.f32 v24, v17;
	v34 =	vmul.f32 v25, v12  }
0x1e7: {  	vm4 =	vmand vm4, vm5;
	v24 =	vmul.f32 v28, v12;
	v25 =	vmul.f32 v25, v16  }
0x1e8: {  	vm1 =	vmand vm1, vm2;
	v28 =	vmul.f32 v28, v16;
	v33 =	vmul.f32 v26, v14  }
0x1e9: {  	v36 =	vmul.f32 v26, v18;
	v26 =	vmul.f32 v27, v17;
	v39 =	vadd.f32 v30, v15  }
0x1ea: {  	v38 =	vmul.f32 v29, v14;
	v30 =	vadd.f32 v30, v23;
	v46 =	vadd.f32 v40, v23  }
0x1eb: {  	v27 =	vmul.f32 v27, v13;
	v59 =	vadd.f32 v40, v15;
	v31 =	vadd.f32 v31, v24  }
0x1ec: {  	v29 =	vmul.f32 v29, v18;
	v28 =	vadd.f32 v32, v28;
	v53 =	vadd.f32 v26, v25  }
0x1ed: {  	v32 =	vadd.s32 s8, v0;
	v27 =	vadd.f32 v27, v34;
	v31 =	vadd.f32 v33, v31  }
0x1ee: {  	vm2 =	vge.s32 v32, v21;
	vm13 =	vlt.s32 v32, v22;
	v28 =	vadd.f32 v36, v28  }
0x1ef: {  	vm6 =	vlt.s32 v32, v20;
	v29 =	vadd.f32 v29, v53;
	v24, v25, _ =	vpop (xrf1);
	v31 =	vadd.f32 v31, v31  }
0x1f0: {  	vm5 =	vmand vm2, vm13;
	v38 =	vadd.f32 v38, v27;
	v28 =	vadd.f32 v28, v28;
	v43, v26, _ =	vpop (xrf1)  }
0x1f1: {  	vm2 =	vge.s32 v32, v19;
	v29 =	vadd.f32 v29, v29;
	v55, v54, _ =	vpop (xrf1);
	v31 =	vsub.f32 v39, v31  }
0x1f2: {  	vm6 =	vmand vm2, vm6;
	v60 =	vadd.f32 v38, v38;
	v28 =	vsub.f32 v30, v28;
	v56, v44, _ =	vpop (xrf1)  }
0x1f3: {  	v33 =	vperm.xlane v55, v2;
	v29 =	vsub.f32 v46, v29;
	v57, v45, _ =	vpop (xrf1);
	v31 =	vmax.f32 v31, $0.0e+00  }
0x1f4: {  	v63 =	vmax.f32 v28, $0.0e+00;
	v28 =	vperm.xlane v54, v2;
	v58 =	vperm.xlane v57, v2  }
0x1f5: {  	vm2 =	vle.f32 v31, $2.500000000e+01;
	v30 =	vperm.xlane v45, v2;
	v29 =	vmax.f32 v29, $0.0e+00  }
0x1f6: {  	vm15 =	vle.f32 v63, $2.500000000e+01;
	vm2 =	vmand vm1, vm2;
	vm1 =	vle.f32 v6, v33  }
0x1f7: {  	p3 =	sne.s32 s6, $0x1;
	vm14 =	vle.f32 v29, $2.500000000e+01;
	vm4 =	vmand vm4, vm15;
	v31 =	vnsel vm2, $0x5D5E0B6B, v31  }
.Ltmp14:
0x1f8: {  	v27 =	vsel vm1, v6, v33;
	vm7 =	vle.f32 v56, v58;
	vm2 =	vmmov vm0;
	(pc) =	sbr.rel @!p3 .LBB2_19-.Ltmp14, $4  }
0x1f9: {  	v33 =	vsub.f32 v59, v60;
	vm0 =	vmmov vm6;
	vm5 =	vmand vm5, vm14  }
0x1fa: {  	v41 =	vnsel vm4, $0x5D5E0B6B, v63;
	v61 =	vsel vm7, v44, v30;
	v34 =	vsel vm7, v56, v58;
	(xrf1) =	vsort.ascd.msk.f32 $0xffff, v31, v35  }
0x1fb: {  	s6 =	sadd.s32 $0xFFFFFFFF, s6;
	s28 =	sadd.s32 $0x20, s8;
	v62 =	vsel vm7, v58, v56;
	v30 =	vsel vm7, v30, v44;
	v42 =	vnsel vm5, $0x5D5E0B6B, v29;
	(xrf1) =	vsort.ascd.msk.f32 $0xffff, v34, v61  }
0x1fc: {  	p1 =	por $0x1, $0x1;
	s8 =	sadd.s32 $0x20, s9;
	s9 =	sadd.s32 $0x20, s26;
	v31 =	vnsel vm3, $0x5D5E0B6B, v11;
	v29 =	vperm.xlane v43, v2;
	v33 =	vmax.f32 v33, $0.0e+00;
	(xrf1) =	vsort.ascd.msk.f32 $0xffff, v62, v30  }
0x1fd: {  	v11 =	vld [tilespmem:s9+$0x0];
	(xrf1) =	vsort.ascd.msk.f32 $0xffff, v42, v32  }
0x1fe: {  	v30 =	vld [tilespmem:s8+$0xFFFFFFF0];
	v39 =	vperm.xlane v10, v2;
	v36 =	vsel vm1, v4, v28;
	v38 =	vperm.xlane v26, v2  }
0x1ff: {  	v40 =	vld [tilespmem:s9+$0xFFFFFFF0];
	v54 =	vperm.xlane v9, v2;
	(xrf1) =	vsort.ascd.msk.f32 $0xffff, v41, v35;
	v35 =	vadd.s32 s28, v1;
	vm4 =	vle.f32 v6, v29  }
0x200: {  	s24 =	sadd.s32 $0x20, s24;
	v58 =	vld [tilespmem:s8+$0x0];
	vm9 =	vle.f32 v37, $2.500000000e+01;
	(xrf1) =	vsort.ascd.msk.f32 $0xffff, v31, v7;
	vm3 =	vge.s32 v35, v19;
	v59 =	vsel vm4, v6, v29  }
0x201: {  	s25 =	sadd.s32 $0x20, s25;
	v34 =	vld [tilespmem:s24+$0x0];
	vm5 =	vge.s32 v35, v21;
	v38 =	vsel vm4, v4, v38;
	vm4 =	vle.f32 v27, v59  }
0x202: {  	v45 =	vld [tilespmem:s25+$0x0];
	vm6 =	vlt.s32 v35, v22;
	v46 =	vsel vm4, v27, v59;
	v47 =	vsel vm4, v36, v38  }
0x203: {  	v50 =	vld [tilespmem:s25+$0xFFFFFFF0];
	v42 =	vsel vm4, v59, v27;
	v49 =	vsel vm4, v38, v36;
	v44 =	vmul.f32 v11, v13  }
0x204: {  	v43 =	vld [tilespmem:s24+$0xFFFFFFF0];
	vm4 =	vmmov vm2;
	v11 =	vmul.f32 v11, v17;
	v60 =	vmul.f32 v30, v12  }
0x205: {  	vm2 =	vlt.s32 v35, v20;
	v61 =	vmul.f32 v40, v17;
	v30 =	vmul.f32 v30, v16  }
0x206: {  	vm5 =	vmand vm5, vm6;
	(xrf1) =	vsort.ascd.msk.f32 $0xffff, v46, v47;
	v53 =	vmul.f32 v58, v12;
	v41 =	vmul.f32 v58, v16  }
0x207: {  	v40 =	vmul.f32 v40, v13;
	v48 =	vmul.f32 v34, v14;
	v52 =	vadd.f32 v45, v15  }
0x208: {  	v47 =	vmul.f32 v34, v18;
	v45 =	vadd.f32 v45, v23;
	v58 =	vadd.f32 v50, v23  }
0x209: {  	v51 =	vmul.f32 v43, v14;
	v50 =	vadd.f32 v50, v15;
	v44 =	vadd.f32 v44, v53;
	v36, v38, _ =	vpop (xrf1)  }
0x20a: {  	v43 =	vmul.f32 v43, v18;
	v30 =	vadd.f32 v61, v30;
	v11 =	vadd.f32 v11, v41;
	v55, v34, _ =	vpop (xrf1)  }
0x20b: {  	vm2 =	vmand vm3, vm2;
	v40 =	vadd.f32 v40, v60;
	v44 =	vadd.f32 v48, v44;
	v53, v56, _ =	vpop (xrf1)  }
0x20c: {  	v43 =	vadd.f32 v43, v30;
	v30 =	vadd.s32 s28, v0;
	v11 =	vadd.f32 v47, v11;
	(xrf1) =	vsort.ascd.msk.f32 $0xffff, v42, v49;
	v41, v57, _ =	vpop (xrf1)  }
0x20d: {  	v51 =	vadd.f32 v51, v40;
	vm3 =	vge.s32 v30, v21;
	vm12 =	vlt.s32 v30, v22;
	v46, v48, _ =	vpop (xrf1)  }
0x20e: {  	vm8 =	vlt.s32 v30, v20;
	v44 =	vadd.f32 v44, v44;
	vm6 =	vmand vm3, vm12;
	v59, v60, _ =	vpop (xrf1)  }
0x20f: {  	vm3 =	vge.s32 v30, v19;
	v11 =	vadd.f32 v11, v11;
	vm7 =	vle.f32 v59, v54  }
0x210: {  	v44 =	vsub.f32 v52, v44;
	v42 =	vsel vm7, v39, v60;
	v47 =	vsel vm7, v54, v59  }
0x211: {  	v43 =	vadd.f32 v43, v43;
	vm8 =	vmand vm3, vm8;
	v11 =	vsub.f32 v45, v11;
	(xrf1) =	vsort.ascd.msk.f32 $0xffff, v47, v42  }
0x212: {  	v44 =	vmax.f32 v44, $0.0e+00;
	v49 =	vsel vm7, v60, v39;
	v54 =	vsel vm7, v59, v54  }
0x213: {  	v43 =	vsub.f32 v58, v43;
	v62 =	vperm.xlane v53, v2;
	vm3 =	vle.f32 v44, $2.500000000e+01;
	(xrf1) =	vsort.ascd.msk.f32 $0xffff, v54, v49  }
0x214: {  	v11 =	vmax.f32 v11, $0.0e+00;
	v46 =	vperm.xlane v46, v2;
	vm2 =	vmand vm2, vm3  }
0x215: {  	v43 =	vmax.f32 v43, $0.0e+00;
	v48 =	vperm.xlane v48, v2;
	v44 =	vnsel vm2, $0x5D5E0B6B, v44  }
0x216: {  	vm14 =	vle.f32 v43, $2.500000000e+01;
	vm15 =	vle.f32 v11, $2.500000000e+01;
	vm13 =	vle.f32 v41, v46;
	v63, v39, _ =	vpop (xrf1);
	(xrf1) =	vsort.ascd.msk.f32 $0xffff, v44, v35  }
0x217: {  	v60 =	vadd.f32 v51, v51;
	v61 =	vsel vm13, v57, v48;
	vm3 =	vle.f32 v63, v62  }
0x218: {  	p3 =	sne.s32 s6, $0x1;
	v40 =	vsel vm3, v63, v62;
	v62 =	vsel vm13, v46, v41;
	v41 =	vsel vm13, v41, v46  }
.Ltmp15:
0x219: {  	vm6 =	vmand vm6, vm14;
	v45 =	vsub.f32 v50, v60;
	v63 =	vsel vm13, v48, v57;
	(xrf1) =	vsort.ascd.msk.f32 $0xffff, v41, v61;
	(pc) =	sbr.rel @!p3 .LBB2_21-.Ltmp15, $4  }
0x21a: {  	vm4 =	vmand vm4, vm9;
	vm5 =	vmand vm5, vm15;
	v42 =	vnsel vm6, $0x5D5E0B6B, v43;
	v43, v44, _ =	vpop (xrf1);
	(xrf1) =	vsort.ascd.msk.f32 $0xffff, v62, v63  }
0x21b: {  	vm2 =	vmmov vm0;
	vm0 =	vmmov vm8;
	v51 =	vnsel vm4, $0x5D5E0B6B, v37  }
0x21c: {  	s26 =	sadd.s32 $0xFFFFFFFF, s6;
	s6 =	sadd.s32 $0x20, s8;
	v49 =	vperm.xlane v56, v2;
	v50 =	vperm.xlane v55, v2;
	v46 =	vimm.f32 $9.999999840e+17  }
0x21d: {  	s8 =	sadd.s32 $0x20, s9;
	p2 =	por $0x1, $0x1;
	s28 =	sadd.s32 $0x20, s28;
	v47 =	vmovc v5;
	v48 =	vimm.f32 $9.999999840e+17;
	v41 =	vnsel vm5, $0x5D5E0B6B, v11;
	v11 =	vmax.f32 v45, $0.0e+00;
	v45 =	vmovc v5  }
.LBB2_22:
0x21e: {  	v37 =	vadd.s32 s28, v1;
	v52 =	vld [tilespmem:s8+$0x0];
	p3 =	sne.s32 s26, $0x1;
	s26 =	sadd.s32 $0xFFFFFFFF, s26;
	s24 =	sadd.s32 $0x20, s24;
	(xrf1) =	vsort.ascd.msk.f32 $0xffff, v42, v30;
	v42 =	vperm.xlane v25, v2;
	v39 =	vsel vm3, v39, v49  }
0x21f: {  	v34 =	vperm.xlane v34, v2;
	v49 =	vld [tilespmem:s6+$0xFFFFFFF0];
	vm3 =	vge.s32 v37, v19;
	vm5 =	vge.s32 v37, v21;
	v25, v53, _ =	vpop (xrf1)  }
0x220: {  	vm6 =	vlt.s32 v37, v22;
	vm4 =	vle.f32 v43, v50;
	v54 =	vld [tilespmem:s24+$0x0];
	v55 =	vperm.xlane v25, v2;
	v25 =	vmovc v38  }
0x221: {  	v56 =	vld [tilespmem:s8+$0xFFFFFFF0];
	(xrf1) =	vsort.ascd.msk.f32 $0xffff, v41, v35;
	v41 =	vsel vm4, v43, v50;
	v43 =	vperm.xlane v53, v2;
	v50, v38, _ =	vpop (xrf1);
	v35 =	vmov v37  }
0x222: {  	v34 =	vsel vm4, v44, v34;
	v53 =	vld [tilespmem:s6+$0x0];
	vm4 =	vle.f32 v40, v41;
	(xrf1) =	vsort.ascd.msk.f32 $0xffff, v51, v8;
	v8 =	vmov v32  }
0x223: {  	s25 =	sadd.s32 $0x20, s25;
	v57 =	vperm.xlane v38, v2;
	v32 =	vmovc v30;
	v44 =	vld [tilespmem:s24+$0xFFFFFFF0];
	v51 =	vmul.f32 v52, v13;
	v37 =	vsel vm4, v40, v41  }
0x224: {  	v52 =	vmul.f32 v52, v17;
	v59 =	vsel vm4, v39, v34;
	v40 =	vsel vm4, v41, v40;
	v30 =	vld [tilespmem:s25+$0x0];
	v58, v38, _ =	vpop (xrf1)  }
0x225: {  	v39 =	vsel vm4, v34, v39;
	vm4 =	vmmov vm2;
	v41 =	vmul.f32 v54, v14;
	(xrf1) =	vsort.ascd.msk.f32 $0xffff, v37, v59  }
0x226: {  	vm2 =	vle.f32 v46, v55;
	v59 =	vmul.f32 v49, v12;
	v54 =	vmul.f32 v54, v18  }
0x227: {  	vm5 =	vmand vm5, vm6;
	v60 =	vmul.f32 v56, v17;
	v37, v34, _ =	vpop (xrf1);
	(xrf1) =	vsort.ascd.msk.f32 $0xffff, v40, v39;
	v39 =	vsel vm2, v47, v43  }
0x228: {  	v40 =	vmul.f32 v49, v16;
	v43 =	vsel vm2, v46, v55;
	v46 =	vperm.xlane v50, v2;
	v47, v49, _ =	vpop (xrf1)  }
0x229: {  	v62 =	vperm.xlane v24, v2;
	v24 =	vmovc v36;
	v55 =	vmul.f32 v44, v14;
	v50 =	vld [tilespmem:s25+$0xFFFFFFF0];
	v61 =	vadd.f32 v30, v15  }
0x22a: {  	v36 =	vmovc v58;
	v40 =	vadd.f32 v60, v40;
	v60 =	vadd.f32 v30, v23;
	vm6 =	vle.f32 v48, v46  }
0x22b: {  	v30 =	vmul.f32 v53, v12;
	v53 =	vmul.f32 v53, v16;
	v46 =	vsel vm6, v48, v46  }
0x22c: {  	v63 =	vmul.f32 v44, v18;
	v48 =	vmul.f32 v56, v13;
	vm7 =	vle.f32 v43, v46;
	v56, v58, _ =	vpop (xrf1)  }
0x22d: {  	vm2 =	vlt.s32 v35, v20;
	v30 =	vadd.f32 v51, v30;
	v51 =	vsel vm7, v43, v46  }
0x22e: {  	vm2 =	vmand vm3, vm2;
	v45 =	vsel vm6, v45, v57;
	v52 =	vadd.f32 v52, v53  }
0x22f: {  	v48 =	vadd.f32 v48, v59;
	v43 =	vsel vm7, v46, v43;
	v41 =	vadd.f32 v41, v30;
	v53, v57, _ =	vpop (xrf1)  }
0x230: {  	v46 =	vadd.f32 v63, v40;
	v63 =	vsel vm7, v39, v45;
	v59 =	vadd.f32 v50, v23;
	v40, v44, _ =	vpop (xrf1)  }
0x231: {  	v30 =	vadd.s32 s28, v0;
	v41 =	vadd.f32 v41, v41;
	vm3 =	vle.f32 v40, v62;
	(xrf1) =	vsort.ascd.msk.f32 $0xffff, v51, v63  }
0x232: {  	v45 =	vsel vm7, v45, v39;
	vm6 =	vge.s32 v30, v21;
	vm8 =	vlt.s32 v30, v22  }
0x233: {  	vm6 =	vmand vm6, vm8;
	v51 =	vadd.f32 v54, v52;
	v52 =	vsel vm3, v42, v44;
	v54, v39, _ =	vpop (xrf1);
	(xrf1) =	vsort.ascd.msk.f32 $0xffff, v43, v45  }
0x234: {  	v41 =	vsub.f32 v61, v41;
	v45 =	vperm.xlane v53, v2;
	v53 =	vsel vm3, v62, v40  }
0x235: {  	vm7 =	vge.s32 v30, v19;
	v42 =	vsel vm3, v44, v42;
	v51 =	vadd.f32 v51, v51;
	v43, v44, _ =	vpop (xrf1)  }
0x236: {  	v47 =	vperm.xlane v47, v2;
	vm8 =	vlt.s32 v30, v20;
	v41 =	vmax.f32 v41, $0.0e+00;
	(xrf1) =	vsort.ascd.msk.f32 $0xffff, v53, v52  }
0x237: {  	vm7 =	vmand vm7, vm8;
	v40 =	vsel vm3, v40, v62;
	vm8 =	vle.f32 v41, $2.500000000e+01  }
0x238: {  	v48 =	vadd.f32 v55, v48;
	vm3 =	vle.f32 v54, v47;
	vm2 =	vmand vm2, vm8;
	(xrf1) =	vsort.ascd.msk.f32 $0xffff, v40, v42  }
0x239: {  	v41 =	vnsel vm2, $0x5D5E0B6B, v41;
	v42 =	vadd.f32 v50, v15;
	v40 =	vsel vm3, v54, v47  }
0x23a: {  	v46 =	vadd.f32 v46, v46;
	v47 =	vsub.f32 v60, v51;
	v50 =	vperm.xlane v57, v2  }
0x23b: {  	v48 =	vadd.f32 v48, v48;
	vm8 =	vle.f32 v56, v45;
	vm2 =	vmmov vm0;
	(xrf1) =	vsort.ascd.msk.f32 $0xffff, v41, v35  }
0x23c: {  	v51 =	vsel vm8, v45, v56;
	v41 =	vsub.f32 v59, v46;
	v46 =	vsel vm8, v58, v50  }
0x23d: {  	v52 =	vsub.f32 v42, v48;
	v48 =	vmax.f32 v47, $0.0e+00;
	v42 =	vsel vm8, v56, v45  }
.Ltmp16:
0x23e: {  	vm0 =	vmmov vm7;
	v50 =	vsel vm8, v50, v58;
	v41 =	vmax.f32 v41, $0.0e+00;
	(xrf1) =	vsort.ascd.msk.f32 $0xffff, v42, v46;
	(pc) =	sbr.rel @p3 .LBB2_22-.Ltmp16, $4  }
0x23f: {  	vm9 =	vle.f32 v33, $2.500000000e+01;
	vm8 =	vle.f32 v48, $2.500000000e+01;
	vm7 =	vle.f32 v41, $2.500000000e+01;
	(xrf1) =	vsort.ascd.msk.f32 $0xffff, v51, v50;
	v46, v47, _ =	vpop (xrf1)  }
0x240: {  	v49 =	vperm.xlane v49, v2;
	vm5 =	vmand vm5, vm8;
	vm6 =	vmand vm6, vm7  }
0x241: {  	vm4 =	vmand vm4, vm9;
	v42 =	vnsel vm6, $0x5D5E0B6B, v41;
	v41 =	vnsel vm5, $0x5D5E0B6B, v48;
	v48, v45, _ =	vpop (xrf1)  }
0x242: {  	s8 =	sadd.s32 $0x20, s8;
	s6 =	sadd.s32 $0x20, s6;
	s28 =	sadd.s32 $0x20, s28;
	v51 =	vnsel vm4, $0x5D5E0B6B, v33;
	v50 =	vperm.xlane v37, v2;
	v33 =	vmovc v11;
	v11 =	vmax.f32 v52, $0.0e+00  }
.Ltmp17:
0x243: {  	(pc) =	sbr.rel .LBB2_24-.Ltmp17, $3  }
0x244: {  	_ =	sdelay $0x1  }
0x245: {  	v13 =	vmov v25;
	v12 =	vmov v8  }
0x246: {  	v16 =	vmovc v24;
	v25 =	vmovc v38;
	v8 =	vmov v32;
	v24 =	vmov v36;
	v15 =	vmov v33  }
.LBB2_17:
.Ltmp18:
0x247: {  	(pc) =	sbr.rel .LBB2_24-.Ltmp18, $4  }
0x248: {  	_ = 	snop  }
0x249: {  	v30 =	vmov v8;
	v25 =	vmov v10;
	v8 =	vmov v7  }
0x24a: {  	v24 =	vmovc v9;
	v15 =	vmovc v11;
	v39 =	vmov v4;
	v43 =	vimm.f32 $9.999999840e+17;
	v44 =	vmov v4  }
0x24b: {  	v46 =	vimm.f32 $9.999999840e+17;
	v47 =	vmovc v5;
	v48 =	vimm.f32 $9.999999840e+17;
	v45 =	vmovc v5;
	v11 =	vmov v37  }
.LBB2_19:
.Ltmp19:
0x24c: {  	(pc) =	sbr.rel .LBB2_24-.Ltmp19, $4  }
0x24d: {  	v30 =	vmovc v32;
	v13 =	vmov v10;
	vm3 =	vmmov vm1;
	v39 =	vmov v4  }
0x24e: {  	v49 =	vmovc v28;
	v34 =	vmovc v26;
	v43 =	vimm.f32 $9.999999840e+17;
	v44 =	vmov v4;
	v40 =	vmov v27  }
0x24f: {  	v51 =	vmovc v31;
	v12 =	vmovc v7;
	v46 =	vimm.f32 $9.999999840e+17;
	v47 =	vmov v5;
	v16 =	vmov v9  }
0x250: {  	v48 =	vimm.f32 $9.999999840e+17;
	v45 =	vmovc v5;
	v15 =	vmovc v37;
	v11 =	vmov v33;
	v50 =	vmov v29  }
.LBB2_21:
.Ltmp20:
0x251: {  	(pc) =	sbr.rel .LBB2_24-.Ltmp20, $4  }
0x252: {  	_ = 	snop  }
0x253: {  	v13 =	vmov v25  }
0x254: {  	v12 =	vmovc v8;
	v16 =	vmovc v24;
	v25 =	vmov v38;
	v8 =	vmov v32;
	v46 =	vimm.f32 $9.999999840e+17  }
0x255: {  	v47 =	vmovc v5;
	v24 =	vmovc v36;
	v48 =	vimm.f32 $9.999999840e+17;
	v45 =	vmov v5;
	v15 =	vmov v33  }
.LBB2_3:
.Ltmp21:
0x256: {  	(pc) =	sbr.rel .LBB2_7-.Ltmp21, $2  }
0x257: {  	_ =	sdelay $0x2  }
0x258: {  	s18 =	simm.s32 $0x0;
	s9 =	simm.s32 $0x2280;
	s8 =	simm.s32 $0x4500  }
.LBB2_5:
.Ltmp22:
0x259: {  	(pc) =	sbr.rel .LBB2_7-.Ltmp22, $2  }
0x25a: {  	_ =	sdelay $0x2  }
0x25b: {  	s18 =	simm.s32 $0x0  }
.LBB2_27:
0x25c: {  	_ =	sfence.sel $0x180000  }
0x25d: {  	[bflag:$0x0] =	sbarrier.arrive $0xFFFF  }
0x25e: {  	_ =	strace $0x90000047  }
0x25f: {  	s0 =	stileid.u32;
	[bflag:$0x2] =	sbarrier.arrive $0xFFFF  }
0x260: {  	p0 =	sne.s32 s0, $0x0;
	s0 =	rddreg [dreg:$0x5]  }
0x261: {  	s0 =	sadd.s32 @!p0 $0x100000, s0  }
0x262: {  	[sflag:s0] =	ssyncadd.tile.s32 @!p0 $0x1;
	_ =	shalt  }
.Lfunc_end2:
_tile_overlayer_lowered:
.L_overlay_start_2:
0x263: {  	(tag) =	ssettag $0x2  }
0x264: {  	s0 =	rddreg [dreg:$0x0];
	s2 =	stileid.u32  }
0x265: {  	s1 =	rddreg [dreg:$0x1];
	p0 =	sne.s32 s2, $0x0  }
0x266: {  	s3 =	rddreg [dreg:$0x2];
	[bflag:$0x3] =	sbarrier.arrive $0xFFFF;
	s2 =	simm.s32 @!p0 $0x1C02  }
0x267: {  	[timem:s3], [sflag:s2] =	dma.local @!p0 [hbm:s0], s1  }
0x268: {  	s0 =	simm.s32 @!p0 $0x2  }
0x269: {  	_ =	swait.ge @!p0 [sflag:s0], s1  }
0x26a: {  	s1 =	ssub.s32 @!p0 $0x0, s1;
	[sflag:s0] =	ssyncset.done @!p0 $0x0  }
0x26b: {  	[sflag:s0] =	ssyncadd.s32 @!p0 s1  }
0x26c: {  	[bflag:$0x3] =	sbarrier.arrive $0xFFFF  }
0x26d: {  	_ =	shalt  }

</sc_bundles>
